<compile_context>
chip_gen: v7x
topology: tpu7x:2x2x1
jax: 0.10.2.dev20260603
libtpu: 0.0.44.dev20260713+nightly
codegen_flags: <defaults>
</compile_context>

<pallas_src>
import functools

import jax
import jax.numpy as jnp
from jax import lax
from jax.experimental import pallas as pl
from jax.experimental.pallas import tpu as pltpu
from jax.experimental.pallas import tpu_sc as plsc

VOCAB = 1000
VOCAB_PAD = 1024
TOTAL = 1024 * 50

NUM_CORES = 2
NUM_SUBCORES = 16
NUM_WORKERS = NUM_CORES * NUM_SUBCORES
ROWS_BLK = 1024
STAGE_BLKS = (25, 25)
N_STAGES = len(STAGE_BLKS)


def _make_sc_gather(per_w, chunk):
    n_chunks = per_w // chunk
    assert per_w % chunk == 0 and n_chunks % 2 == 0 and chunk % 8 == 0

    def _sc_body(table, idx_hbm, out_hbm, idx_v, rows_v0, rows_v1,
                 gsem0, gsem1, ssem0, ssem1):
        wid = lax.axis_index("s") * NUM_CORES + lax.axis_index("c")
        base = wid * per_w
        pltpu.sync_copy(idx_hbm.at[pl.ds(base, per_w)], idx_v)

        bufs = ((rows_v0, gsem0, ssem0), (rows_v1, gsem1, ssem1))

        for b, (rows_v, gsem, _) in enumerate(bufs):
            pltpu.async_copy(table.at[idx_v.at[pl.ds(b * chunk, chunk)]],
                             rows_v, gsem)

        def pair_body(i, carry):
            for b, (rows_v, gsem, ssem) in enumerate(bufs):
                c = 2 * i + b
                off = c * chunk
                pltpu.make_async_copy(
                    table.at[idx_v.at[pl.ds(off, chunk)]], rows_v, gsem).wait()
                pltpu.async_copy(rows_v,
                                 out_hbm.at[pl.ds(base + off, chunk)], ssem)

                @pl.when(c + 2 < n_chunks)
                def _next():
                    pltpu.make_async_copy(
                        rows_v, out_hbm.at[pl.ds(base + off, chunk)],
                        ssem).wait()
                    pltpu.async_copy(
                        table.at[idx_v.at[pl.ds(off + 2 * chunk, chunk)]],
                        rows_v, gsem)
            return carry

        lax.fori_loop(0, n_chunks // 2, pair_body, 0)

        for b, (rows_v, _, ssem) in enumerate(bufs):
            off = (n_chunks - 2 + b) * chunk
            pltpu.make_async_copy(
                rows_v, out_hbm.at[pl.ds(base + off, chunk)], ssem).wait()

    return functools.partial(
        pl.kernel,
        mesh=plsc.VectorSubcoreMesh(core_axis_name="c", subcore_axis_name="s"),
        out_type=[jax.ShapeDtypeStruct((per_w * NUM_WORKERS, VOCAB_PAD),
                                       jnp.float32)],
        scratch_types=[
            pltpu.VMEM((per_w,), jnp.int32),
            pltpu.VMEM((chunk, VOCAB_PAD), jnp.float32),
            pltpu.VMEM((chunk, VOCAB_PAD), jnp.float32),
            pltpu.SemaphoreType.DMA,
            pltpu.SemaphoreType.DMA,
            pltpu.SemaphoreType.DMA,
            pltpu.SemaphoreType.DMA,
        ],
        compiler_params=pltpu.CompilerParams(use_tc_tiling_on_sc=True),
    )(_sc_body)


def _stage_chunk(per_w):
    for chunk in (64, 56, 48, 40, 32, 24, 16, 8):
        if chunk * VOCAB_PAD * 4 * 2 > 420 * 1024:
            continue
        if per_w % chunk == 0 and (per_w // chunk) % 2 == 0:
            return chunk
    raise ValueError(per_w)


_sc_gathers = [
    _make_sc_gather(b * ROWS_BLK // NUM_WORKERS,
                    _stage_chunk(b * ROWS_BLK // NUM_WORKERS))
    for b in STAGE_BLKS
]




def _loss_stage_body(x_ref, t_ref, logits_ref, o_ref):
    g = pl.program_id(0)
    x = x_ref[...]
    xt = jnp.transpose(x)
    logits_ref[...] = xt[:VOCAB, :]
    row = lax.broadcasted_iota(jnp.int32, (VOCAB_PAD, ROWS_BLK), 0)
    xm = jnp.where(row < VOCAB, xt, -jnp.inf)
    m = jnp.max(xm, axis=0, keepdims=True)
    s = jnp.sum(jnp.exp(xm - m), axis=0, keepdims=True)
    lse = m + jnp.log(s)
    t = t_ref[...].reshape(1, ROWS_BLK)
    tval = jnp.sum(jnp.where(row == t, xt, 0.0), axis=0, keepdims=True)
    partial = jnp.sum(lse - tval)

    @pl.when(g == 0)
    def _init():
        o_ref[0, 0] = 0.0

    o_ref[0, 0] += partial


def _next_body(prev_ref, x_ref, t_ref, logits_ref, o_ref):
    del prev_ref
    _loss_stage_body(x_ref, t_ref, logits_ref, o_ref)


def _make_loss_calls():
    t_spec = pl.BlockSpec((1, 1, ROWS_BLK), lambda g: (g, 0, 0))
    out_shapes = [
        jax.ShapeDtypeStruct((VOCAB, TOTAL), jnp.float32),
        jax.ShapeDtypeStruct((1, 1), jnp.float32),
    ]
    calls, base = [], 0
    for s, nblk in enumerate(STAGE_BLKS):
        x_spec = pl.BlockSpec((ROWS_BLK, VOCAB_PAD), lambda g: (g, 0))
        o_spec = pl.BlockSpec(
            (VOCAB, ROWS_BLK), functools.partial(lambda b, g: (0, b + g), base))
        if s == 0:
            calls.append(pl.pallas_call(
                _loss_stage_body,
                grid=(nblk,),
                in_specs=[x_spec, t_spec],
                out_specs=[o_spec, pl.BlockSpec(memory_space=pltpu.SMEM)],
                out_shape=out_shapes,
            ))
        else:
            calls.append(pl.pallas_call(
                _next_body,
                grid=(nblk,),
                in_specs=[pl.BlockSpec(memory_space=pl.ANY), x_spec, t_spec],
                out_specs=[o_spec, pl.BlockSpec(memory_space=pltpu.SMEM)],
                out_shape=out_shapes,
                input_output_aliases={0: 0},
            ))
        base += nblk
    return calls


_loss_calls = _make_loss_calls()


def kernel(contexts, targets, embedding_table):
    idx = contexts.reshape(-1).astype(jnp.int32)
    tgt = targets.reshape(-1).astype(jnp.int32)
    table_pad = jnp.pad(embedding_table, ((0, 0), (0, VOCAB_PAD - VOCAB)))
    inters, row0 = [], 0
    for s, nblk in enumerate(STAGE_BLKS):
        rows = nblk * ROWS_BLK
        inters.append(_sc_gathers[s](table_pad, idx[row0:row0 + rows])[0])
        row0 += rows
    tgt3 = tgt.reshape(TOTAL // ROWS_BLK, 1, ROWS_BLK)
    blk0 = 0
    logits_t, partial = _loss_calls[0](
        inters[0], tgt3[blk0:blk0 + STAGE_BLKS[0]])
    partials = [partial]
    blk0 += STAGE_BLKS[0]
    for s in range(1, N_STAGES):
        logits_t, partial = _loss_calls[s](
            logits_t, inters[s], tgt3[blk0:blk0 + STAGE_BLKS[s]])
        partials.append(partial)
        blk0 += STAGE_BLKS[s]
    loss = sum(p[0, 0] for p in partials) / TOTAL
    return logits_t.T, loss

# --- scband reference (transcript-rebuilt; emitter-appended) ---
"""Pipeline reference for scband-bigram-language-model-41394894799376 (READ-ONLY COPY).

The authoritative reference and input builder live on the scoring server;
editing this copy changes nothing except your own understanding.
"""

import jax, jax.numpy as jnp
import numpy as np

VOCAB = 1000
B, L = 1024, 50

def setup_inputs(seed: int = 0) -> dict:
    key = jax.random.key(seed)
    k1, k2, k3 = jax.random.split(key, 3)
    contexts = jax.random.randint(k1, (B, L), 0, VOCAB, dtype=jnp.int64 if jax.config.jax_enable_x64 else jnp.int32)
    targets = jax.random.randint(k2, (B, L), 0, VOCAB, dtype=jnp.int64 if jax.config.jax_enable_x64 else jnp.int32)
    # learned parameter: nn.Embedding(vocab_size, vocab_size) weight, N(0,1) init like torch default
    embedding_table = jax.random.normal(k3, (VOCAB, VOCAB), dtype=jnp.float32)
    return {"contexts": contexts, "targets": targets, "embedding_table": embedding_table}

def reference(contexts, targets, embedding_table):
    # logits = self.embedding_table(contexts)  -> gather rows
    logits = jnp.take(embedding_table, contexts, axis=0)  # [B, L, V]
    Bv, Nv, Dv = logits.shape
    logits = logits.reshape(Bv * Nv, Dv)
    t = targets.reshape(Bv * Nv)
    # F.cross_entropy with mean reduction
    logp = jax.nn.log_softmax(logits, axis=-1)
    nll = -jnp.take_along_axis(logp, t[:, None], axis=1)[:, 0]
    loss = jnp.mean(nll)
    return (logits, loss)

if __name__ == "__main__":
    import jax
    _d = setup_inputs()
    print(jax.jit(kernel)(*tuple(_d.values())))

</pallas_src>

<mosaic_0001>
#map = affine_map<(d0, d1) -> (0, 0)>
#map1 = affine_map<(d0, d1) -> (0)>
module attributes {stable_mosaic.version = 14 : i64} {
  func.func @_sc_body(%arg0: i32, %arg1: i32, %arg2: memref<1000x1024xf32, #tpu.memory_space<hbm>>, %arg3: memref<25600xi32, #tpu.memory_space<hbm>>, %arg4: memref<25600x1024xf32, #tpu.memory_space<hbm>>, %arg5: memref<800xi32, #tpu.memory_space<vmem>>, %arg6: memref<40x1024xf32, #tpu.memory_space<vmem>>, %arg7: memref<40x1024xf32, #tpu.memory_space<vmem>>, %arg8: memref<!tpu.dma_semaphore, #tpu.memory_space<semaphore_mem>>, %arg9: memref<!tpu.dma_semaphore, #tpu.memory_space<semaphore_mem>>, %arg10: memref<!tpu.dma_semaphore, #tpu.memory_space<semaphore_mem>>, %arg11: memref<!tpu.dma_semaphore, #tpu.memory_space<semaphore_mem>>) attributes {dimension_semantics = [#tpu.dimension_semantics<core_parallel>, #tpu.dimension_semantics<subcore_parallel>], iteration_bounds = array<i64: 2, 16>, scalar_prefetch = 0 : i64, scratch_operands = 7 : i64, tpu.core_type = #tpu.core_type<sc_vector_subcore>, window_params = [{transform_indices = #map}, {transform_indices = #map1}, {transform_indices = #map}]} {
    %mul3A = arith.constant 2 : i32
    %mul3A_0 = arith.muli %arg1, %mul3A : i32
    %add3A = arith.addi %mul3A_0, %arg0 : i32
    %mul3A_1 = arith.constant 800 : i32
    %mul3A_2 = arith.muli %add3A, %mul3A_1 : i32
    "tpu.region"() ({
      %run_scoped3A = tpu.sem_alloc : memref<!tpu.dma_semaphore, #tpu.memory_space<semaphore_mem>>
      %dma_start3A_28 = tpu.memref_slice %arg3[%mul3A_2] : memref<25600xi32, #tpu.memory_space<hbm>> -> memref<800xi32, #tpu.memory_space<hbm>>
      %dma_start3A_29 = tpu.memref_slice %arg3[%mul3A_2] : memref<25600xi32, #tpu.memory_space<hbm>> -> memref<800xi32, #tpu.memory_space<hbm>>
      tpu.enqueue_dma source(%dma_start3A_29 : memref<800xi32, #tpu.memory_space<hbm>>) target(%arg5 : memref<800xi32, #tpu.memory_space<vmem>>) target_semaphore(%run_scoped3A : memref<!tpu.dma_semaphore, #tpu.memory_space<semaphore_mem>>)
      %dma_wait3A_30 = tpu.memref_slice %arg3[%mul3A_2] : memref<25600xi32, #tpu.memory_space<hbm>> -> memref<800xi32, #tpu.memory_space<hbm>>
      %dma_wait3A_31 = tpu.memref_slice %arg3[%mul3A_2] : memref<25600xi32, #tpu.memory_space<hbm>> -> memref<800xi32, #tpu.memory_space<hbm>>
      tpu.wait_dma2 semaphore(%run_scoped3A : memref<!tpu.dma_semaphore, #tpu.memory_space<semaphore_mem>>) src(%dma_wait3A_31 : memref<800xi32, #tpu.memory_space<hbm>>) dst(%arg5 : memref<800xi32, #tpu.memory_space<vmem>>)
      tpu.yield
    }) : () -> ()
    %dma_start3A = arith.constant 0 : i32
    %dma_start3A_3 = tpu.memref_slice %arg5[%dma_start3A] : memref<800xi32, #tpu.memory_space<vmem>> -> memref<40xi32, #tpu.memory_space<vmem>>
    %dma_start3A_4 = arith.constant 0 : i32
    %dma_start3A_5 = arith.constant 0 : i32
    %dma_start3A_6 = tpu.memref_slice %arg2[%dma_start3A_4, %dma_start3A_5] : memref<1000x1024xf32, #tpu.memory_space<hbm>> -> memref<1000x1024xf32, #tpu.memory_space<hbm>>
    tpu.enqueue_indirect_dma source(%dma_start3A_6 : memref<1000x1024xf32, #tpu.memory_space<hbm>>) target(%arg6 : memref<40x1024xf32, #tpu.memory_space<vmem>>) offsets(%dma_start3A_3 : memref<40xi32, #tpu.memory_space<vmem>>) semaphore(%arg8 : memref<!tpu.dma_semaphore, #tpu.memory_space<semaphore_mem>>)
    %dma_start3A_7 = arith.constant 40 : i32
    %dma_start3A_8 = tpu.memref_slice %arg5[%dma_start3A_7] : memref<800xi32, #tpu.memory_space<vmem>> -> memref<40xi32, #tpu.memory_space<vmem>>
    %dma_start3A_9 = arith.constant 0 : i32
    %dma_start3A_10 = arith.constant 0 : i32
    %dma_start3A_11 = tpu.memref_slice %arg2[%dma_start3A_9, %dma_start3A_10] : memref<1000x1024xf32, #tpu.memory_space<hbm>> -> memref<1000x1024xf32, #tpu.memory_space<hbm>>
    tpu.enqueue_indirect_dma source(%dma_start3A_11 : memref<1000x1024xf32, #tpu.memory_space<hbm>>) target(%arg7 : memref<40x1024xf32, #tpu.memory_space<vmem>>) offsets(%dma_start3A_8 : memref<40xi32, #tpu.memory_space<vmem>>) semaphore(%arg9 : memref<!tpu.dma_semaphore, #tpu.memory_space<semaphore_mem>>)
    %scan3A = arith.constant 0 : i32
    %scan3A_12 = arith.constant 0 : i32
    %scan3A_13 = arith.constant 10 : i32
    %scan3A_14 = arith.addi %scan3A_12, %scan3A_13 : i32
    %scan3A_15 = arith.constant 1 : i32
    scf.for %scan3A_28 = %scan3A_12 to %scan3A_14 step %scan3A_15  : i32 {
      %mul3A_29 = arith.constant 2 : i32
      %mul3A_30 = arith.muli %mul3A_29, %scan3A_28 : i32
      %add3A_31 = arith.constant 0 : i32
      %add3A_32 = arith.addi %mul3A_30, %add3A_31 : i32
      %mul3A_33 = arith.constant 40 : i32
      %mul3A_34 = arith.muli %add3A_32, %mul3A_33 : i32
      %dma_wait3A_35 = tpu.memref_slice %arg5[%mul3A_34] : memref<800xi32, #tpu.memory_space<vmem>> -> memref<40xi32, #tpu.memory_space<vmem>>
      %dma_wait3A_36 = arith.constant 0 : i32
      %dma_wait3A_37 = arith.constant 0 : i32
      %dma_wait3A_38 = tpu.memref_slice %arg2[%dma_wait3A_36, %dma_wait3A_37] : memref<1000x1024xf32, #tpu.memory_space<hbm>> -> memref<1000x1024xf32, #tpu.memory_space<hbm>>
      tpu.wait_indirect_dma semaphore(%arg8 : memref<!tpu.dma_semaphore, #tpu.memory_space<semaphore_mem>>) src(%dma_wait3A_38 : memref<1000x1024xf32, #tpu.memory_space<hbm>>) dst(%arg6 : memref<40x1024xf32, #tpu.memory_space<vmem>>)
      %add3A_39 = arith.addi %mul3A_2, %mul3A_34 : i32
      %dma_start3A_40 = arith.constant 0 : i32
      %dma_start3A_41 = tpu.memref_slice %arg4[%add3A_39, %dma_start3A_40] : memref<25600x1024xf32, #tpu.memory_space<hbm>> -> memref<40x1024xf32, #tpu.memory_space<hbm>>
      %dma_start3A_42 = arith.constant 0 : i32
      %dma_start3A_43 = tpu.memref_slice %arg4[%add3A_39, %dma_start3A_42] : memref<25600x1024xf32, #tpu.memory_space<hbm>> -> memref<40x1024xf32, #tpu.memory_space<hbm>>
      tpu.enqueue_dma source(%arg6 : memref<40x1024xf32, #tpu.memory_space<vmem>>) target(%dma_start3A_43 : memref<40x1024xf32, #tpu.memory_space<hbm>>) target_semaphore(%arg10 : memref<!tpu.dma_semaphore, #tpu.memory_space<semaphore_mem>>)
      %add3A_44 = arith.constant 2 : i32
      %add3A_45 = arith.addi %add3A_32, %add3A_44 : i32
      %lt3A = arith.constant 20 : i32
      %lt3A_46 = arith.cmpi slt, %add3A_45, %lt3A : i32
      %convert_element_type3A = arith.extui %lt3A_46 : i1 to i32
      %cond3A = arith.constant 0 : i32
      %cond3A_47 = arith.cmpi ne, %convert_element_type3A, %cond3A : i32
      scf.if %cond3A_47 {
        %add3A_70 = arith.addi %mul3A_2, %mul3A_34 : i32
        %dma_wait3A_71 = arith.constant 0 : i32
        %dma_wait3A_72 = tpu.memref_slice %arg4[%add3A_70, %dma_wait3A_71] : memref<25600x1024xf32, #tpu.memory_space<hbm>> -> memref<40x1024xf32, #tpu.memory_space<hbm>>
        %dma_wait3A_73 = arith.constant 0 : i32
        %dma_wait3A_74 = tpu.memref_slice %arg4[%add3A_70, %dma_wait3A_73] : memref<25600x1024xf32, #tpu.memory_space<hbm>> -> memref<40x1024xf32, #tpu.memory_space<hbm>>
        tpu.wait_dma2 semaphore(%arg10 : memref<!tpu.dma_semaphore, #tpu.memory_space<semaphore_mem>>) src(%arg6 : memref<40x1024xf32, #tpu.memory_space<vmem>>) dst(%dma_wait3A_74 : memref<40x1024xf32, #tpu.memory_space<hbm>>)
        %add3A_75 = arith.constant 80 : i32
        %add3A_76 = arith.addi %mul3A_34, %add3A_75 : i32
        %dma_start3A_77 = tpu.memref_slice %arg5[%add3A_76] : memref<800xi32, #tpu.memory_space<vmem>> -> memref<40xi32, #tpu.memory_space<vmem>>
        %dma_start3A_78 = arith.constant 0 : i32
        %dma_start3A_79 = arith.constant 0 : i32
        %dma_start3A_80 = tpu.memref_slice %arg2[%dma_start3A_78, %dma_start3A_79] : memref<1000x1024xf32, #tpu.memory_space<hbm>> -> memref<1000x1024xf32, #tpu.memory_space<hbm>>
        tpu.enqueue_indirect_dma source(%dma_start3A_80 : memref<1000x1024xf32, #tpu.memory_space<hbm>>) target(%arg6 : memref<40x1024xf32, #tpu.memory_space<vmem>>) offsets(%dma_start3A_77 : memref<40xi32, #tpu.memory_space<vmem>>) semaphore(%arg8 : memref<!tpu.dma_semaphore, #tpu.memory_space<semaphore_mem>>)
      } else {
      }
      %mul3A_48 = arith.constant 2 : i32
      %mul3A_49 = arith.muli %mul3A_48, %scan3A_28 : i32
      %add3A_50 = arith.constant 1 : i32
      %add3A_51 = arith.addi %mul3A_49, %add3A_50 : i32
      %mul3A_52 = arith.constant 40 : i32
      %mul3A_53 = arith.muli %add3A_51, %mul3A_52 : i32
      %dma_wait3A_54 = tpu.memref_slice %arg5[%mul3A_53] : memref<800xi32, #tpu.memory_space<vmem>> -> memref<40xi32, #tpu.memory_space<vmem>>
      %dma_wait3A_55 = arith.constant 0 : i32
      %dma_wait3A_56 = arith.constant 0 : i32
      %dma_wait3A_57 = tpu.memref_slice %arg2[%dma_wait3A_55, %dma_wait3A_56] : memref<1000x1024xf32, #tpu.memory_space<hbm>> -> memref<1000x1024xf32, #tpu.memory_space<hbm>>
      tpu.wait_indirect_dma semaphore(%arg9 : memref<!tpu.dma_semaphore, #tpu.memory_space<semaphore_mem>>) src(%dma_wait3A_57 : memref<1000x1024xf32, #tpu.memory_space<hbm>>) dst(%arg7 : memref<40x1024xf32, #tpu.memory_space<vmem>>)
      %add3A_58 = arith.addi %mul3A_2, %mul3A_53 : i32
      %dma_start3A_59 = arith.constant 0 : i32
      %dma_start3A_60 = tpu.memref_slice %arg4[%add3A_58, %dma_start3A_59] : memref<25600x1024xf32, #tpu.memory_space<hbm>> -> memref<40x1024xf32, #tpu.memory_space<hbm>>
      %dma_start3A_61 = arith.constant 0 : i32
      %dma_start3A_62 = tpu.memref_slice %arg4[%add3A_58, %dma_start3A_61] : memref<25600x1024xf32, #tpu.memory_space<hbm>> -> memref<40x1024xf32, #tpu.memory_space<hbm>>
      tpu.enqueue_dma source(%arg7 : memref<40x1024xf32, #tpu.memory_space<vmem>>) target(%dma_start3A_62 : memref<40x1024xf32, #tpu.memory_space<hbm>>) target_semaphore(%arg11 : memref<!tpu.dma_semaphore, #tpu.memory_space<semaphore_mem>>)
      %add3A_63 = arith.constant 2 : i32
      %add3A_64 = arith.addi %add3A_51, %add3A_63 : i32
      %lt3A_65 = arith.constant 20 : i32
      %lt3A_66 = arith.cmpi slt, %add3A_64, %lt3A_65 : i32
      %convert_element_type3A_67 = arith.extui %lt3A_66 : i1 to i32
      %cond3A_68 = arith.constant 0 : i32
      %cond3A_69 = arith.cmpi ne, %convert_element_type3A_67, %cond3A_68 : i32
      scf.if %cond3A_69 {
        %add3A_70 = arith.addi %mul3A_2, %mul3A_53 : i32
        %dma_wait3A_71 = arith.constant 0 : i32
        %dma_wait3A_72 = tpu.memref_slice %arg4[%add3A_70, %dma_wait3A_71] : memref<25600x1024xf32, #tpu.memory_space<hbm>> -> memref<40x1024xf32, #tpu.memory_space<hbm>>
        %dma_wait3A_73 = arith.constant 0 : i32
        %dma_wait3A_74 = tpu.memref_slice %arg4[%add3A_70, %dma_wait3A_73] : memref<25600x1024xf32, #tpu.memory_space<hbm>> -> memref<40x1024xf32, #tpu.memory_space<hbm>>
        tpu.wait_dma2 semaphore(%arg11 : memref<!tpu.dma_semaphore, #tpu.memory_space<semaphore_mem>>) src(%arg7 : memref<40x1024xf32, #tpu.memory_space<vmem>>) dst(%dma_wait3A_74 : memref<40x1024xf32, #tpu.memory_space<hbm>>)
        %add3A_75 = arith.constant 80 : i32
        %add3A_76 = arith.addi %mul3A_53, %add3A_75 : i32
        %dma_start3A_77 = tpu.memref_slice %arg5[%add3A_76] : memref<800xi32, #tpu.memory_space<vmem>> -> memref<40xi32, #tpu.memory_space<vmem>>
        %dma_start3A_78 = arith.constant 0 : i32
        %dma_start3A_79 = arith.constant 0 : i32
        %dma_start3A_80 = tpu.memref_slice %arg2[%dma_start3A_78, %dma_start3A_79] : memref<1000x1024xf32, #tpu.memory_space<hbm>> -> memref<1000x1024xf32, #tpu.memory_space<hbm>>
        tpu.enqueue_indirect_dma source(%dma_start3A_80 : memref<1000x1024xf32, #tpu.memory_space<hbm>>) target(%arg7 : memref<40x1024xf32, #tpu.memory_space<vmem>>) offsets(%dma_start3A_77 : memref<40xi32, #tpu.memory_space<vmem>>) semaphore(%arg9 : memref<!tpu.dma_semaphore, #tpu.memory_space<semaphore_mem>>)
      } else {
      }
    }
    %scan3A_16 = arith.constant 10 : i32
    %add3A_17 = arith.constant 720 : i32
    %add3A_18 = arith.addi %mul3A_2, %add3A_17 : i32
    %dma_wait3A = arith.constant 0 : i32
    %dma_wait3A_19 = tpu.memref_slice %arg4[%add3A_18, %dma_wait3A] : memref<25600x1024xf32, #tpu.memory_space<hbm>> -> memref<40x1024xf32, #tpu.memory_space<hbm>>
    %dma_wait3A_20 = arith.constant 0 : i32
    %dma_wait3A_21 = tpu.memref_slice %arg4[%add3A_18, %dma_wait3A_20] : memref<25600x1024xf32, #tpu.memory_space<hbm>> -> memref<40x1024xf32, #tpu.memory_space<hbm>>
    tpu.wait_dma2 semaphore(%arg10 : memref<!tpu.dma_semaphore, #tpu.memory_space<semaphore_mem>>) src(%arg6 : memref<40x1024xf32, #tpu.memory_space<vmem>>) dst(%dma_wait3A_21 : memref<40x1024xf32, #tpu.memory_space<hbm>>)
    %add3A_22 = arith.constant 760 : i32
    %add3A_23 = arith.addi %mul3A_2, %add3A_22 : i32
    %dma_wait3A_24 = arith.constant 0 : i32
    %dma_wait3A_25 = tpu.memref_slice %arg4[%add3A_23, %dma_wait3A_24] : memref<25600x1024xf32, #tpu.memory_space<hbm>> -> memref<40x1024xf32, #tpu.memory_space<hbm>>
    %dma_wait3A_26 = arith.constant 0 : i32
    %dma_wait3A_27 = tpu.memref_slice %arg4[%add3A_23, %dma_wait3A_26] : memref<25600x1024xf32, #tpu.memory_space<hbm>> -> memref<40x1024xf32, #tpu.memory_space<hbm>>
    tpu.wait_dma2 semaphore(%arg11 : memref<!tpu.dma_semaphore, #tpu.memory_space<semaphore_mem>>) src(%arg7 : memref<40x1024xf32, #tpu.memory_space<vmem>>) dst(%dma_wait3A_27 : memref<40x1024xf32, #tpu.memory_space<hbm>>)
    return
  }
}

#map = affine_map<(d0, d1) -> (0, 0)>
#map1 = affine_map<(d0, d1) -> (0)>
module attributes {stable_mosaic.version = 14 : i64} {
  func.func @_sc_body(%arg0: i32, %arg1: i32, %arg2: memref<1000x1024xf32, #tpu.memory_space<hbm>>, %arg3: memref<25600xi32, #tpu.memory_space<hbm>>, %arg4: memref<25600x1024xf32, #tpu.memory_space<hbm>>, %arg5: memref<800xi32, #tpu.memory_space<vmem>>, %arg6: memref<40x1024xf32, #tpu.memory_space<vmem>>, %arg7: memref<40x1024xf32, #tpu.memory_space<vmem>>, %arg8: memref<!tpu.dma_semaphore, #tpu.memory_space<semaphore_mem>>, %arg9: memref<!tpu.dma_semaphore, #tpu.memory_space<semaphore_mem>>, %arg10: memref<!tpu.dma_semaphore, #tpu.memory_space<semaphore_mem>>, %arg11: memref<!tpu.dma_semaphore, #tpu.memory_space<semaphore_mem>>) attributes {dimension_semantics = [#tpu.dimension_semantics<core_parallel>, #tpu.dimension_semantics<subcore_parallel>], iteration_bounds = array<i64: 2, 16>, scalar_prefetch = 0 : i64, scratch_operands = 7 : i64, tpu.core_type = #tpu.core_type<sc_vector_subcore>, window_params = [{transform_indices = #map}, {transform_indices = #map1}, {transform_indices = #map}]} {
    %mul3A = arith.constant 2 : i32
    %mul3A_0 = arith.muli %arg1, %mul3A : i32
    %add3A = arith.addi %mul3A_0, %arg0 : i32
    %mul3A_1 = arith.constant 800 : i32
    %mul3A_2 = arith.muli %add3A, %mul3A_1 : i32
    "tpu.region"() ({
      %run_scoped3A = tpu.sem_alloc : memref<!tpu.dma_semaphore, #tpu.memory_space<semaphore_mem>>
      %dma_start3A_28 = tpu.memref_slice %arg3[%mul3A_2] : memref<25600xi32, #tpu.memory_space<hbm>> -> memref<800xi32, #tpu.memory_space<hbm>>
      %dma_start3A_29 = tpu.memref_slice %arg3[%mul3A_2] : memref<25600xi32, #tpu.memory_space<hbm>> -> memref<800xi32, #tpu.memory_space<hbm>>
      tpu.enqueue_dma source(%dma_start3A_29 : memref<800xi32, #tpu.memory_space<hbm>>) target(%arg5 : memref<800xi32, #tpu.memory_space<vmem>>) target_semaphore(%run_scoped3A : memref<!tpu.dma_semaphore, #tpu.memory_space<semaphore_mem>>)
      %dma_wait3A_30 = tpu.memref_slice %arg3[%mul3A_2] : memref<25600xi32, #tpu.memory_space<hbm>> -> memref<800xi32, #tpu.memory_space<hbm>>
      %dma_wait3A_31 = tpu.memref_slice %arg3[%mul3A_2] : memref<25600xi32, #tpu.memory_space<hbm>> -> memref<800xi32, #tpu.memory_space<hbm>>
      tpu.wait_dma2 semaphore(%run_scoped3A : memref<!tpu.dma_semaphore, #tpu.memory_space<semaphore_mem>>) src(%dma_wait3A_31 : memref<800xi32, #tpu.memory_space<hbm>>) dst(%arg5 : memref<800xi32, #tpu.memory_space<vmem>>)
      tpu.yield
    }) : () -> ()
    %dma_start3A = arith.constant 0 : i32
    %dma_start3A_3 = tpu.memref_slice %arg5[%dma_start3A] : memref<800xi32, #tpu.memory_space<vmem>> -> memref<40xi32, #tpu.memory_space<vmem>>
    %dma_start3A_4 = arith.constant 0 : i32
    %dma_start3A_5 = arith.constant 0 : i32
    %dma_start3A_6 = tpu.memref_slice %arg2[%dma_start3A_4, %dma_start3A_5] : memref<1000x1024xf32, #tpu.memory_space<hbm>> -> memref<1000x1024xf32, #tpu.memory_space<hbm>>
    tpu.enqueue_indirect_dma source(%dma_start3A_6 : memref<1000x1024xf32, #tpu.memory_space<hbm>>) target(%arg6 : memref<40x1024xf32, #tpu.memory_space<vmem>>) offsets(%dma_start3A_3 : memref<40xi32, #tpu.memory_space<vmem>>) semaphore(%arg8 : memref<!tpu.dma_semaphore, #tpu.memory_space<semaphore_mem>>)
    %dma_start3A_7 = arith.constant 40 : i32
    %dma_start3A_8 = tpu.memref_slice %arg5[%dma_start3A_7] : memref<800xi32, #tpu.memory_space<vmem>> -> memref<40xi32, #tpu.memory_space<vmem>>
    %dma_start3A_9 = arith.constant 0 : i32
    %dma_start3A_10 = arith.constant 0 : i32
    %dma_start3A_11 = tpu.memref_slice %arg2[%dma_start3A_9, %dma_start3A_10] : memref<1000x1024xf32, #tpu.memory_space<hbm>> -> memref<1000x1024xf32, #tpu.memory_space<hbm>>
    tpu.enqueue_indirect_dma source(%dma_start3A_11 : memref<1000x1024xf32, #tpu.memory_space<hbm>>) target(%arg7 : memref<40x1024xf32, #tpu.memory_space<vmem>>) offsets(%dma_start3A_8 : memref<40xi32, #tpu.memory_space<vmem>>) semaphore(%arg9 : memref<!tpu.dma_semaphore, #tpu.memory_space<semaphore_mem>>)
    %scan3A = arith.constant 0 : i32
    %scan3A_12 = arith.constant 0 : i32
    %scan3A_13 = arith.constant 10 : i32
    %scan3A_14 = arith.addi %scan3A_12, %scan3A_13 : i32
    %scan3A_15 = arith.constant 1 : i32
    scf.for %scan3A_28 = %scan3A_12 to %scan3A_14 step %scan3A_15  : i32 {
      %mul3A_29 = arith.constant 2 : i32
      %mul3A_30 = arith.muli %mul3A_29, %scan3A_28 : i32
      %add3A_31 = arith.constant 0 : i32
      %add3A_32 = arith.addi %mul3A_30, %add3A_31 : i32
      %mul3A_33 = arith.constant 40 : i32
      %mul3A_34 = arith.muli %add3A_32, %mul3A_33 : i32
      %dma_wait3A_35 = tpu.memref_slice %arg5[%mul3A_34] : memref<800xi32, #tpu.memory_space<vmem>> -> memref<40xi32, #tpu.memory_space<vmem>>
      %dma_wait3A_36 = arith.constant 0 : i32
      %dma_wait3A_37 = arith.constant 0 : i32
      %dma_wait3A_38 = tpu.memref_slice %arg2[%dma_wait3A_36, %dma_wait3A_37] : memref<1000x1024xf32, #tpu.memory_space<hbm>> -> memref<1000x1024xf32, #tpu.memory_space<hbm>>
      tpu.wait_indirect_dma semaphore(%arg8 : memref<!tpu.dma_semaphore, #tpu.memory_space<semaphore_mem>>) src(%dma_wait3A_38 : memref<1000x1024xf32, #tpu.memory_space<hbm>>) dst(%arg6 : memref<40x1024xf32, #tpu.memory_space<vmem>>)
      %add3A_39 = arith.addi %mul3A_2, %mul3A_34 : i32
      %dma_start3A_40 = arith.constant 0 : i32
      %dma_start3A_41 = tpu.memref_slice %arg4[%add3A_39, %dma_start3A_40] : memref<25600x1024xf32, #tpu.memory_space<hbm>> -> memref<40x1024xf32, #tpu.memory_space<hbm>>
      %dma_start3A_42 = arith.constant 0 : i32
      %dma_start3A_43 = tpu.memref_slice %arg4[%add3A_39, %dma_start3A_42] : memref<25600x1024xf32, #tpu.memory_space<hbm>> -> memref<40x1024xf32, #tpu.memory_space<hbm>>
      tpu.enqueue_dma source(%arg6 : memref<40x1024xf32, #tpu.memory_space<vmem>>) target(%dma_start3A_43 : memref<40x1024xf32, #tpu.memory_space<hbm>>) target_semaphore(%arg10 : memref<!tpu.dma_semaphore, #tpu.memory_space<semaphore_mem>>)
      %add3A_44 = arith.constant 2 : i32
      %add3A_45 = arith.addi %add3A_32, %add3A_44 : i32
      %lt3A = arith.constant 20 : i32
      %lt3A_46 = arith.cmpi slt, %add3A_45, %lt3A : i32
      %convert_element_type3A = arith.extui %lt3A_46 : i1 to i32
      %cond3A = arith.constant 0 : i32
      %cond3A_47 = arith.cmpi ne, %convert_element_type3A, %cond3A : i32
      scf.if %cond3A_47 {
        %add3A_70 = arith.addi %mul3A_2, %mul3A_34 : i32
        %dma_wait3A_71 = arith.constant 0 : i32
        %dma_wait3A_72 = tpu.memref_slice %arg4[%add3A_70, %dma_wait3A_71] : memref<25600x1024xf32, #tpu.memory_space<hbm>> -> memref<40x1024xf32, #tpu.memory_space<hbm>>
        %dma_wait3A_73 = arith.constant 0 : i32
        %dma_wait3A_74 = tpu.memref_slice %arg4[%add3A_70, %dma_wait3A_73] : memref<25600x1024xf32, #tpu.memory_space<hbm>> -> memref<40x1024xf32, #tpu.memory_space<hbm>>
        tpu.wait_dma2 semaphore(%arg10 : memref<!tpu.dma_semaphore, #tpu.memory_space<semaphore_mem>>) src(%arg6 : memref<40x1024xf32, #tpu.memory_space<vmem>>) dst(%dma_wait3A_74 : memref<40x1024xf32, #tpu.memory_space<hbm>>)
        %add3A_75 = arith.constant 80 : i32
        %add3A_76 = arith.addi %mul3A_34, %add3A_75 : i32
        %dma_start3A_77 = tpu.memref_slice %arg5[%add3A_76] : memref<800xi32, #tpu.memory_space<vmem>> -> memref<40xi32, #tpu.memory_space<vmem>>
        %dma_start3A_78 = arith.constant 0 : i32
        %dma_start3A_79 = arith.constant 0 : i32
        %dma_start3A_80 = tpu.memref_slice %arg2[%dma_start3A_78, %dma_start3A_79] : memref<1000x1024xf32, #tpu.memory_space<hbm>> -> memref<1000x1024xf32, #tpu.memory_space<hbm>>
        tpu.enqueue_indirect_dma source(%dma_start3A_80 : memref<1000x1024xf32, #tpu.memory_space<hbm>>) target(%arg6 : memref<40x1024xf32, #tpu.memory_space<vmem>>) offsets(%dma_start3A_77 : memref<40xi32, #tpu.memory_space<vmem>>) semaphore(%arg8 : memref<!tpu.dma_semaphore, #tpu.memory_space<semaphore_mem>>)
      } else {
      }
      %mul3A_48 = arith.constant 2 : i32
      %mul3A_49 = arith.muli %mul3A_48, %scan3A_28 : i32
      %add3A_50 = arith.constant 1 : i32
      %add3A_51 = arith.addi %mul3A_49, %add3A_50 : i32
      %mul3A_52 = arith.constant 40 : i32
      %mul3A_53 = arith.muli %add3A_51, %mul3A_52 : i32
      %dma_wait3A_54 = tpu.memref_slice %arg5[%mul3A_53] : memref<800xi32, #tpu.memory_space<vmem>> -> memref<40xi32, #tpu.memory_space<vmem>>
      %dma_wait3A_55 = arith.constant 0 : i32
      %dma_wait3A_56 = arith.constant 0 : i32
      %dma_wait3A_57 = tpu.memref_slice %arg2[%dma_wait3A_55, %dma_wait3A_56] : memref<1000x1024xf32, #tpu.memory_space<hbm>> -> memref<1000x1024xf32, #tpu.memory_space<hbm>>
      tpu.wait_indirect_dma semaphore(%arg9 : memref<!tpu.dma_semaphore, #tpu.memory_space<semaphore_mem>>) src(%dma_wait3A_57 : memref<1000x1024xf32, #tpu.memory_space<hbm>>) dst(%arg7 : memref<40x1024xf32, #tpu.memory_space<vmem>>)
      %add3A_58 = arith.addi %mul3A_2, %mul3A_53 : i32
      %dma_start3A_59 = arith.constant 0 : i32
      %dma_start3A_60 = tpu.memref_slice %arg4[%add3A_58, %dma_start3A_59] : memref<25600x1024xf32, #tpu.memory_space<hbm>> -> memref<40x1024xf32, #tpu.memory_space<hbm>>
      %dma_start3A_61 = arith.constant 0 : i32
      %dma_start3A_62 = tpu.memref_slice %arg4[%add3A_58, %dma_start3A_61] : memref<25600x1024xf32, #tpu.memory_space<hbm>> -> memref<40x1024xf32, #tpu.memory_space<hbm>>
      tpu.enqueue_dma source(%arg7 : memref<40x1024xf32, #tpu.memory_space<vmem>>) target(%dma_start3A_62 : memref<40x1024xf32, #tpu.memory_space<hbm>>) target_semaphore(%arg11 : memref<!tpu.dma_semaphore, #tpu.memory_space<semaphore_mem>>)
      %add3A_63 = arith.constant 2 : i32
      %add3A_64 = arith.addi %add3A_51, %add3A_63 : i32
      %lt3A_65 = arith.constant 20 : i32
      %lt3A_66 = arith.cmpi slt, %add3A_64, %lt3A_65 : i32
      %convert_element_type3A_67 = arith.extui %lt3A_66 : i1 to i32
      %cond3A_68 = arith.constant 0 : i32
      %cond3A_69 = arith.cmpi ne, %convert_element_type3A_67, %cond3A_68 : i32
      scf.if %cond3A_69 {
        %add3A_70 = arith.addi %mul3A_2, %mul3A_53 : i32
        %dma_wait3A_71 = arith.constant 0 : i32
        %dma_wait3A_72 = tpu.memref_slice %arg4[%add3A_70, %dma_wait3A_71] : memref<25600x1024xf32, #tpu.memory_space<hbm>> -> memref<40x1024xf32, #tpu.memory_space<hbm>>
        %dma_wait3A_73 = arith.constant 0 : i32
        %dma_wait3A_74 = tpu.memref_slice %arg4[%add3A_70, %dma_wait3A_73] : memref<25600x1024xf32, #tpu.memory_space<hbm>> -> memref<40x1024xf32, #tpu.memory_space<hbm>>
        tpu.wait_dma2 semaphore(%arg11 : memref<!tpu.dma_semaphore, #tpu.memory_space<semaphore_mem>>) src(%arg7 : memref<40x1024xf32, #tpu.memory_space<vmem>>) dst(%dma_wait3A_74 : memref<40x1024xf32, #tpu.memory_space<hbm>>)
        %add3A_75 = arith.constant 80 : i32
        %add3A_76 = arith.addi %mul3A_53, %add3A_75 : i32
        %dma_start3A_77 = tpu.memref_slice %arg5[%add3A_76] : memref<800xi32, #tpu.memory_space<vmem>> -> memref<40xi32, #tpu.memory_space<vmem>>
        %dma_start3A_78 = arith.constant 0 : i32
        %dma_start3A_79 = arith.constant 0 : i32
        %dma_start3A_80 = tpu.memref_slice %arg2[%dma_start3A_78, %dma_start3A_79] : memref<1000x1024xf32, #tpu.memory_space<hbm>> -> memref<1000x1024xf32, #tpu.memory_space<hbm>>
        tpu.enqueue_indirect_dma source(%dma_start3A_80 : memref<1000x1024xf32, #tpu.memory_space<hbm>>) target(%arg7 : memref<40x1024xf32, #tpu.memory_space<vmem>>) offsets(%dma_start3A_77 : memref<40xi32, #tpu.memory_space<vmem>>) semaphore(%arg9 : memref<!tpu.dma_semaphore, #tpu.memory_space<semaphore_mem>>)
      } else {
      }
    }
    %scan3A_16 = arith.constant 10 : i32
    %add3A_17 = arith.constant 720 : i32
    %add3A_18 = arith.addi %mul3A_2, %add3A_17 : i32
    %dma_wait3A = arith.constant 0 : i32
    %dma_wait3A_19 = tpu.memref_slice %arg4[%add3A_18, %dma_wait3A] : memref<25600x1024xf32, #tpu.memory_space<hbm>> -> memref<40x1024xf32, #tpu.memory_space<hbm>>
    %dma_wait3A_20 = arith.constant 0 : i32
    %dma_wait3A_21 = tpu.memref_slice %arg4[%add3A_18, %dma_wait3A_20] : memref<25600x1024xf32, #tpu.memory_space<hbm>> -> memref<40x1024xf32, #tpu.memory_space<hbm>>
    tpu.wait_dma2 semaphore(%arg10 : memref<!tpu.dma_semaphore, #tpu.memory_space<semaphore_mem>>) src(%arg6 : memref<40x1024xf32, #tpu.memory_space<vmem>>) dst(%dma_wait3A_21 : memref<40x1024xf32, #tpu.memory_space<hbm>>)
    %add3A_22 = arith.constant 760 : i32
    %add3A_23 = arith.addi %mul3A_2, %add3A_22 : i32
    %dma_wait3A_24 = arith.constant 0 : i32
    %dma_wait3A_25 = tpu.memref_slice %arg4[%add3A_23, %dma_wait3A_24] : memref<25600x1024xf32, #tpu.memory_space<hbm>> -> memref<40x1024xf32, #tpu.memory_space<hbm>>
    %dma_wait3A_26 = arith.constant 0 : i32
    %dma_wait3A_27 = tpu.memref_slice %arg4[%add3A_23, %dma_wait3A_26] : memref<25600x1024xf32, #tpu.memory_space<hbm>> -> memref<40x1024xf32, #tpu.memory_space<hbm>>
    tpu.wait_dma2 semaphore(%arg11 : memref<!tpu.dma_semaphore, #tpu.memory_space<semaphore_mem>>) src(%arg7 : memref<40x1024xf32, #tpu.memory_space<vmem>>) dst(%dma_wait3A_27 : memref<40x1024xf32, #tpu.memory_space<hbm>>)
    return
  }
}

module attributes {stable_mosaic.version = 14 : i64} {
  func.func @_loss_stage_body(%arg0: i32, %arg1: memref<1024x1024xf32, #tpu.memory_space<vmem>>, %arg2: memref<1x1x1024xi32, #tpu.memory_space<vmem>>, %arg3: memref<1000x1024xf32, #tpu.memory_space<vmem>>, %arg4: memref<1x1xf32, #tpu.memory_space<smem>>) attributes {dimension_semantics = [#tpu.dimension_semantics<arbitrary>], iteration_bounds = array<i64: 25>, scalar_prefetch = 0 : i64, scratch_operands = 0 : i64, tpu.core_type = #tpu.core_type<tc>, window_params = [{transform_indices = @transform_0, window_bounds = array<i64: 1024, 1024>}, {transform_indices = @transform_1, window_bounds = array<i64: 1, 1, 1024>}, {transform_indices = @transform_2, window_bounds = array<i64: 1000, 1024>}, {transform_indices = @transform_3, window_bounds = array<i64: 1, 1>}]} {
    %get3A = arith.constant 0 : index
    %get3A_0 = arith.constant 0 : index
    %get3A_1 = vector.load %arg1[%get3A, %get3A_0] : memref<1024x1024xf32, #tpu.memory_space<vmem>>, vector<1024x1024xf32>
    %transpose3A = tpu.transpose %get3A_1, [1, 0] : vector<1024x1024xf32> -> vector<1024x1024xf32>
    %slice3A = vector.extract_strided_slice %transpose3A {offsets = [0, 0], sizes = [1000, 1024], strides = [1, 1]} : vector<1024x1024xf32> to vector<1000x1024xf32>
    %swap3A = arith.constant 0 : index
    %swap3A_2 = arith.constant 0 : index
    %swap3A_3 = vector.load %arg3[%swap3A, %swap3A_2] : memref<1000x1024xf32, #tpu.memory_space<vmem>>, vector<1000x1024xf32>
    tpu.vector_store %arg3[%swap3A, %swap3A_2], %slice3A {strides = array<i32>} : memref<1000x1024xf32, #tpu.memory_space<vmem>>, vector<1000x1024xf32>,
    %iota3A = tpu.iota {dimensions = array<i32: 0>} : vector<1024x1024xi32>
    %lt3A = arith.constant 1000 : i32
    %lt3A_4 = vector.broadcast %lt3A : i32 to vector<1024x1024xi32>
    %lt3A_5 = arith.cmpi slt, %iota3A, %lt3A_4 : vector<1024x1024xi32>
    %jit3A = arith.constant 0xFF800000 : f32
    %broadcast_in_dim3A = vector.broadcast %jit3A : f32 to vector<1024x1024xf32>
    %select_n3A = arith.select %lt3A_5, %transpose3A, %broadcast_in_dim3A : vector<1024x1024xi1>, vector<1024x1024xf32>
    %reduce_max3A = arith.constant dense<0xFF800000> : vector<1024xf32>
    %reduce_max3A_6 = vector.multi_reduction <maximumf>, %select_n3A, %reduce_max3A [0] : vector<1024x1024xf32> to vector<1024xf32>
    %broadcast_in_dim3A_7 = vector.shape_cast %reduce_max3A_6 : vector<1024xf32> to vector<1x1024xf32>
    %sub3A = vector.broadcast %broadcast_in_dim3A_7 : vector<1x1024xf32> to vector<1024x1024xf32>
    %sub3A_8 = arith.subf %select_n3A, %sub3A : vector<1024x1024xf32>
    %exp3A = math.exp %sub3A_8 : vector<1024x1024xf32>
    %reduce_sum3A = arith.constant dense<0.000000e+00> : vector<1024xf32>
    %reduce_sum3A_9 = vector.multi_reduction <add>, %exp3A, %reduce_sum3A [0] : vector<1024x1024xf32> to vector<1024xf32>
    %broadcast_in_dim3A_10 = vector.shape_cast %reduce_sum3A_9 : vector<1024xf32> to vector<1x1024xf32>
    %log3A = math.log %broadcast_in_dim3A_10 : vector<1x1024xf32>
    %add3A = arith.addf %broadcast_in_dim3A_7, %log3A : vector<1x1024xf32>
    %get3A_11 = arith.constant 0 : index
    %get3A_12 = arith.constant 0 : index
    %get3A_13 = arith.constant 0 : index
    %get3A_14 = vector.load %arg2[%get3A_11, %get3A_12, %get3A_13] : memref<1x1x1024xi32, #tpu.memory_space<vmem>>, vector<1x1x1024xi32>
    %reshape3A = vector.shape_cast %get3A_14 : vector<1x1x1024xi32> to vector<1x1024xi32>
    %eq3A = vector.broadcast %reshape3A : vector<1x1024xi32> to vector<1024x1024xi32>
    %eq3A_15 = arith.cmpi eq, %iota3A, %eq3A : vector<1024x1024xi32>
    %jit3A_16 = arith.constant 0.000000e+00 : f32
    %broadcast_in_dim3A_17 = vector.broadcast %jit3A_16 : f32 to vector<1024x1024xf32>
    %select_n3A_18 = arith.select %eq3A_15, %transpose3A, %broadcast_in_dim3A_17 : vector<1024x1024xi1>, vector<1024x1024xf32>
    %reduce_sum3A_19 = arith.constant dense<0.000000e+00> : vector<1024xf32>
    %reduce_sum3A_20 = vector.multi_reduction <add>, %select_n3A_18, %reduce_sum3A_19 [0] : vector<1024x1024xf32> to vector<1024xf32>
    %broadcast_in_dim3A_21 = vector.shape_cast %reduce_sum3A_20 : vector<1024xf32> to vector<1x1024xf32>
    %sub3A_22 = arith.subf %add3A, %broadcast_in_dim3A_21 : vector<1x1024xf32>
    %reduce_sum3A_23 = vector.shape_cast %sub3A_22 : vector<1x1024xf32> to vector<1x1x1024xf32>
    %reduce_sum3A_24 = arith.constant dense<0.000000e+00> : vector<1xf32>
    %reduce_sum3A_25 = vector.multi_reduction <add>, %reduce_sum3A_23, %reduce_sum3A_24 [1, 2] : vector<1x1x1024xf32> to vector<1xf32>
    %reduce_sum3A_26 = vector.shape_cast %reduce_sum3A_25 : vector<1xf32> to vector<1x1x1xf32>
    %reduce_sum3A_27 = vector.extract %reduce_sum3A_26[0, 0, 0] : f32 from vector<1x1x1xf32>
    %eq3A_28 = arith.constant 0 : i32
    %eq3A_29 = arith.cmpi eq, %arg0, %eq3A_28 : i32
    %convert_element_type3A = arith.extui %eq3A_29 : i1 to i32
    %cond3A = arith.constant 0 : i32
    %cond3A_30 = arith.cmpi ne, %convert_element_type3A, %cond3A : i32
    scf.if %cond3A_30 {
      %swap3A_38 = arith.constant 0.000000e+00 : f32
      %swap3A_39 = arith.constant 0 : index
      %swap3A_40 = arith.constant 0 : index
      %swap3A_41 = memref.load %arg4[%swap3A_39, %swap3A_40] : memref<1x1xf32, #tpu.memory_space<smem>>
      memref.store %swap3A_38, %arg4[%swap3A_39, %swap3A_40] : memref<1x1xf32, #tpu.memory_space<smem>>
    } else {
    }
    %get3A_31 = arith.constant 0 : index
    %get3A_32 = arith.constant 0 : index
    %get3A_33 = memref.load %arg4[%get3A_31, %get3A_32] : memref<1x1xf32, #tpu.memory_space<smem>>
    %add3A_34 = arith.addf %get3A_33, %reduce_sum3A_27 : f32
    %swap3A_35 = arith.constant 0 : index
    %swap3A_36 = arith.constant 0 : index
    %swap3A_37 = memref.load %arg4[%swap3A_35, %swap3A_36] : memref<1x1xf32, #tpu.memory_space<smem>>
    memref.store %add3A_34, %arg4[%swap3A_35, %swap3A_36] : memref<1x1xf32, #tpu.memory_space<smem>>
    return
  }
  func.func @transform_0(%arg0: i32) -> (i32, i32) {
    %c0_i32 = arith.constant 0 : i32
    %c0_i32_0 = arith.constant 0 : i32
    return %arg0, %c0_i32 : i32, i32
  }
  func.func @transform_1(%arg0: i32) -> (i32, i32, i32) {
    %c0_i32 = arith.constant 0 : i32
    %c0_i32_0 = arith.constant 0 : i32
    %c0_i32_1 = arith.constant 0 : i32
    return %arg0, %c0_i32, %c0_i32_0 : i32, i32, i32
  }
  func.func @transform_2(%arg0: i32) -> (i32, i32) {
    %add3A = arith.constant 0 : i32
    %add3A_0 = arith.addi %add3A, %arg0 : i32
    %c0_i32 = arith.constant 0 : i32
    %c0_i32_1 = arith.constant 0 : i32
    return %c0_i32, %add3A_0 : i32, i32
  }
  func.func @transform_3(%arg0: i32) -> (i32, i32) {
    %c0_i32 = arith.constant 0 : i32
    %c0_i32_0 = arith.constant 0 : i32
    %c0_i32_1 = arith.constant 0 : i32
    return %c0_i32, %c0_i32_0 : i32, i32
  }
}

module attributes {stable_mosaic.version = 14 : i64} {
  func.func @_next_body(%arg0: i32, %arg1: memref<1000x51200xf32, #tpu.memory_space<any>>, %arg2: memref<1024x1024xf32, #tpu.memory_space<vmem>>, %arg3: memref<1x1x1024xi32, #tpu.memory_space<vmem>>, %arg4: memref<1000x1024xf32, #tpu.memory_space<vmem>>, %arg5: memref<1x1xf32, #tpu.memory_space<smem>>) attributes {dimension_semantics = [#tpu.dimension_semantics<arbitrary>], iteration_bounds = array<i64: 25>, scalar_prefetch = 0 : i64, scratch_operands = 0 : i64, tpu.core_type = #tpu.core_type<tc>, window_params = [{}, {transform_indices = @transform_1, window_bounds = array<i64: 1024, 1024>}, {transform_indices = @transform_2, window_bounds = array<i64: 1, 1, 1024>}, {transform_indices = @transform_3, window_bounds = array<i64: 1000, 1024>}, {transform_indices = @transform_4, window_bounds = array<i64: 1, 1>}]} {
    %get3A = arith.constant 0 : index
    %get3A_0 = arith.constant 0 : index
    %get3A_1 = vector.load %arg2[%get3A, %get3A_0] : memref<1024x1024xf32, #tpu.memory_space<vmem>>, vector<1024x1024xf32>
    %transpose3A = tpu.transpose %get3A_1, [1, 0] : vector<1024x1024xf32> -> vector<1024x1024xf32>
    %slice3A = vector.extract_strided_slice %transpose3A {offsets = [0, 0], sizes = [1000, 1024], strides = [1, 1]} : vector<1024x1024xf32> to vector<1000x1024xf32>
    %swap3A = arith.constant 0 : index
    %swap3A_2 = arith.constant 0 : index
    %swap3A_3 = vector.load %arg4[%swap3A, %swap3A_2] : memref<1000x1024xf32, #tpu.memory_space<vmem>>, vector<1000x1024xf32>
    tpu.vector_store %arg4[%swap3A, %swap3A_2], %slice3A {strides = array<i32>} : memref<1000x1024xf32, #tpu.memory_space<vmem>>, vector<1000x1024xf32>,
    %iota3A = tpu.iota {dimensions = array<i32: 0>} : vector<1024x1024xi32>
    %lt3A = arith.constant 1000 : i32
    %lt3A_4 = vector.broadcast %lt3A : i32 to vector<1024x1024xi32>
    %lt3A_5 = arith.cmpi slt, %iota3A, %lt3A_4 : vector<1024x1024xi32>
    %jit3A = arith.constant 0xFF800000 : f32
    %broadcast_in_dim3A = vector.broadcast %jit3A : f32 to vector<1024x1024xf32>
    %select_n3A = arith.select %lt3A_5, %transpose3A, %broadcast_in_dim3A : vector<1024x1024xi1>, vector<1024x1024xf32>
    %reduce_max3A = arith.constant dense<0xFF800000> : vector<1024xf32>
    %reduce_max3A_6 = vector.multi_reduction <maximumf>, %select_n3A, %reduce_max3A [0] : vector<1024x1024xf32> to vector<1024xf32>
    %broadcast_in_dim3A_7 = vector.shape_cast %reduce_max3A_6 : vector<1024xf32> to vector<1x1024xf32>
    %sub3A = vector.broadcast %broadcast_in_dim3A_7 : vector<1x1024xf32> to vector<1024x1024xf32>
    %sub3A_8 = arith.subf %select_n3A, %sub3A : vector<1024x1024xf32>
    %exp3A = math.exp %sub3A_8 : vector<1024x1024xf32>
    %reduce_sum3A = arith.constant dense<0.000000e+00> : vector<1024xf32>
    %reduce_sum3A_9 = vector.multi_reduction <add>, %exp3A, %reduce_sum3A [0] : vector<1024x1024xf32> to vector<1024xf32>
    %broadcast_in_dim3A_10 = vector.shape_cast %reduce_sum3A_9 : vector<1024xf32> to vector<1x1024xf32>
    %log3A = math.log %broadcast_in_dim3A_10 : vector<1x1024xf32>
    %add3A = arith.addf %broadcast_in_dim3A_7, %log3A : vector<1x1024xf32>
    %get3A_11 = arith.constant 0 : index
    %get3A_12 = arith.constant 0 : index
    %get3A_13 = arith.constant 0 : index
    %get3A_14 = vector.load %arg3[%get3A_11, %get3A_12, %get3A_13] : memref<1x1x1024xi32, #tpu.memory_space<vmem>>, vector<1x1x1024xi32>
    %reshape3A = vector.shape_cast %get3A_14 : vector<1x1x1024xi32> to vector<1x1024xi32>
    %eq3A = vector.broadcast %reshape3A : vector<1x1024xi32> to vector<1024x1024xi32>
    %eq3A_15 = arith.cmpi eq, %iota3A, %eq3A : vector<1024x1024xi32>
    %jit3A_16 = arith.constant 0.000000e+00 : f32
    %broadcast_in_dim3A_17 = vector.broadcast %jit3A_16 : f32 to vector<1024x1024xf32>
    %select_n3A_18 = arith.select %eq3A_15, %transpose3A, %broadcast_in_dim3A_17 : vector<1024x1024xi1>, vector<1024x1024xf32>
    %reduce_sum3A_19 = arith.constant dense<0.000000e+00> : vector<1024xf32>
    %reduce_sum3A_20 = vector.multi_reduction <add>, %select_n3A_18, %reduce_sum3A_19 [0] : vector<1024x1024xf32> to vector<1024xf32>
    %broadcast_in_dim3A_21 = vector.shape_cast %reduce_sum3A_20 : vector<1024xf32> to vector<1x1024xf32>
    %sub3A_22 = arith.subf %add3A, %broadcast_in_dim3A_21 : vector<1x1024xf32>
    %reduce_sum3A_23 = vector.shape_cast %sub3A_22 : vector<1x1024xf32> to vector<1x1x1024xf32>
    %reduce_sum3A_24 = arith.constant dense<0.000000e+00> : vector<1xf32>
    %reduce_sum3A_25 = vector.multi_reduction <add>, %reduce_sum3A_23, %reduce_sum3A_24 [1, 2] : vector<1x1x1024xf32> to vector<1xf32>
    %reduce_sum3A_26 = vector.shape_cast %reduce_sum3A_25 : vector<1xf32> to vector<1x1x1xf32>
    %reduce_sum3A_27 = vector.extract %reduce_sum3A_26[0, 0, 0] : f32 from vector<1x1x1xf32>
    %eq3A_28 = arith.constant 0 : i32
    %eq3A_29 = arith.cmpi eq, %arg0, %eq3A_28 : i32
    %convert_element_type3A = arith.extui %eq3A_29 : i1 to i32
    %cond3A = arith.constant 0 : i32
    %cond3A_30 = arith.cmpi ne, %convert_element_type3A, %cond3A : i32
    scf.if %cond3A_30 {
      %swap3A_38 = arith.constant 0.000000e+00 : f32
      %swap3A_39 = arith.constant 0 : index
      %swap3A_40 = arith.constant 0 : index
      %swap3A_41 = memref.load %arg5[%swap3A_39, %swap3A_40] : memref<1x1xf32, #tpu.memory_space<smem>>
      memref.store %swap3A_38, %arg5[%swap3A_39, %swap3A_40] : memref<1x1xf32, #tpu.memory_space<smem>>
    } else {
    }
    %get3A_31 = arith.constant 0 : index
    %get3A_32 = arith.constant 0 : index
    %get3A_33 = memref.load %arg5[%get3A_31, %get3A_32] : memref<1x1xf32, #tpu.memory_space<smem>>
    %add3A_34 = arith.addf %get3A_33, %reduce_sum3A_27 : f32
    %swap3A_35 = arith.constant 0 : index
    %swap3A_36 = arith.constant 0 : index
    %swap3A_37 = memref.load %arg5[%swap3A_35, %swap3A_36] : memref<1x1xf32, #tpu.memory_space<smem>>
    memref.store %add3A_34, %arg5[%swap3A_35, %swap3A_36] : memref<1x1xf32, #tpu.memory_space<smem>>
    return
  }
  func.func @transform_1(%arg0: i32) -> (i32, i32) {
    %c0_i32 = arith.constant 0 : i32
    %c0_i32_0 = arith.constant 0 : i32
    return %arg0, %c0_i32 : i32, i32
  }
  func.func @transform_2(%arg0: i32) -> (i32, i32, i32) {
    %c0_i32 = arith.constant 0 : i32
    %c0_i32_0 = arith.constant 0 : i32
    %c0_i32_1 = arith.constant 0 : i32
    return %arg0, %c0_i32, %c0_i32_0 : i32, i32, i32
  }
  func.func @transform_3(%arg0: i32) -> (i32, i32) {
    %add3A = arith.constant 25 : i32
    %add3A_0 = arith.addi %add3A, %arg0 : i32
    %c0_i32 = arith.constant 0 : i32
    %c0_i32_1 = arith.constant 0 : i32
    return %c0_i32, %add3A_0 : i32, i32
  }
  func.func @transform_4(%arg0: i32) -> (i32, i32) {
    %c0_i32 = arith.constant 0 : i32
    %c0_i32_0 = arith.constant 0 : i32
    %c0_i32_1 = arith.constant 0 : i32
    return %c0_i32, %c0_i32_0 : i32, i32
  }
}

</mosaic_0001>

<sc_bundles>
// kernel: kernel.6.cloned.1.call-start
scs
__scs_entry_jumppad:
0x0: {  	(pc) =	sbr.rel $0x88, $3  }
0x1: {  	(tag) =	ssettag $0x0;
	lr =	simm.s32 $0x1  }
0x2: {  	[smem:$0x3F9E] =	sst lr;
	_ =	strace $0xD0000000  }
0x3: {  	_ = 	snop  }
0x4: {  	_ = 	snop  }
0x5: {  	_ = 	snop  }
0x6: {  	_ = 	snop  }
0x7: {  	_ = 	snop  }
__scs_overlays_trampoline_lowered:
0x8: {  	[smem:$0x3FAD] =	sst s0  }
0x9: {  	[smem:$0x3FAE] =	sst s1  }
0xa: {  	[smem:$0x3FAF] =	sst s2  }
0xb: {  	[smem:$0x3FB0] =	sst s3  }
0xc: {  	[smem:$0x3FB1] =	sst s4  }
0xd: {  	[smem:$0x3FB2] =	sst s5  }
0xe: {  	[smem:$0x3FB3] =	sst s6  }
0xf: {  	[smem:$0x3FB4] =	sst s7  }
0x10: {  	[smem:$0x3FB5] =	sst s8  }
0x11: {  	[smem:$0x3FB6] =	sst s9;
	s0 =	simm.s32 @!p0 $0x0  }
0x12: {  	s1 =	sld [smem:$0x3F9C];
	s0 =	simm.s32 @p0 $0x1  }
0x13: {  	[smem:$0x3FB7] =	sst s0;
	s0 =	simm.s32 @!p1 $0x0  }
0x14: {  	s2 =	sld [smem:$0x3F9B];
	s0 =	simm.s32 @p1 $0x1  }
0x15: {  	[smem:$0x3FB8] =	sst s0;
	s0 =	simm.s32 @!p2 $0x0  }
0x16: {  	s3 =	sld [smem:$0x3FDB];
	s0 =	simm.s32 @p2 $0x1  }
0x17: {  	s4 =	simm.s32 $0x1BF5;
	[smem:$0x3FBA] =	sst s0  }
0x18: {  	s0 =	sld [smem:$0x3F9D];
	_ =	swait.ge [sflag:s4], $0x0  }
0x19: {  	s7 =	sld [smem:$0x3F9E]  }
0x1a: {  	s8 =	sadd.s32 $0xFFFFE003, lr  }
0x1b: {  	s9 =	sadd.s32 $0xFFFFFEF7, lr;
	s5 =	simm.s32 $0xFFFFFFFF;
	p2 =	slt.u32 s8, $0xFFFFF086  }
0x1c: {  	p1 =	slt.u32 s9, $0xF7A;
	s5 =	simm.s32 @!p2 $0x0  }
0x1d: {  	s5 =	simm.s32 @p1 $0x1;
	p0 =	seq.s32 s7, s2  }
0x1e: {  	s7 =	smul.u32 @!p0 $0xF7A, s2;
	p2 =	seq.s32 @!p0 s5, $0x0  }
0x1f: {  	s9 =	smul.u32 $0xF7A, s1;
	s8 =	simm.s32 @!p0 $0x1BF5;
	p2 =	por !p2, p0  }
0x20: {  	[sflag:s8] =	ssyncset.s32 @!p0 $0xFFFFF086;
	s6 =	sadd.s32 @!p0 s3, s7;
	s7 =	simm.s32 @!p0 $0x108  }
0x21: {  	s3 =	sadd.s32 s3, s9;
	s6 =	sadd.s32 @!p0 $0x88, s6;
	s7 =	simm.s32 @p2 $0x1082  }
0x22: {  	[simem:s7], [sflag:s8] =	dma.local @!p0 [hbm:s6], $0xF7A  }
0x23: {  	s9 =	sor.u32 $0xD0000000, s2;
	s6 =	simm.s32 $0x108;
	_ =	swait.ge @!p0 [sflag:s8], $0x0  }
0x24: {  	s3 =	sadd.s32 $0x88, s3;
	s6 =	simm.s32 @!p1 $0x1082;
	[sflag:s4] =	ssyncset.s32 $0xFFFFF086  }
0x25: {  	[simem:s6], [sflag:s4] =	dma.local [hbm:s3], $0xF7A  }
0x26: {  	[smem:$0x3F9E] =	sst s1;
	(tag) =	ssettag s2;
	_ =	strace s9  }
0x27: {  	s1 =	sld [smem:$0x3FAE]  }
0x28: {  	s2 =	sld [smem:$0x3FAF]  }
0x29: {  	s4 =	sld [smem:$0x3FB1]  }
0x2a: {  	p0 =	seq.s32 s5, $0x0;
	s5 =	sld [smem:$0x3FB2]  }
0x2b: {  	s6 =	sld [smem:$0x3FB3]  }
0x2c: {  	s7 =	sld [smem:$0x3FB4]  }
0x2d: {  	s3 =	simm.s32 $0x108;
	s8 =	sld [smem:$0x3FB5]  }
0x2e: {  	s3 =	simm.s32 @!p0 $0x1082;
	s9 =	sld [smem:$0x3FB6]  }
0x2f: {  	lr =	sadd.s32 s0, s3;
	s0 =	sld [smem:$0x3FAD]  }
0x30: {  	s3 =	sld [smem:$0x3FB0]  }
0x31: {  	[smem:$0x3FB9] =	sst s10  }
0x32: {  	s10 =	sld [smem:$0x3FB7];
	_ =	sdelay $0x3  }
0x33: {  	p0 =	seq.s32 s10, $0x1;
	s10 =	sld [smem:$0x3FB9];
	_ =	sdelay $0x3  }
0x34: {  	[smem:$0x3FB9] =	sst s10  }
0x35: {  	s10 =	sld [smem:$0x3FB8];
	_ =	sdelay $0x3  }
0x36: {  	p1 =	seq.s32 s10, $0x1;
	s10 =	sld [smem:$0x3FB9];
	_ =	sdelay $0x3  }
0x37: {  	[smem:$0x3FB9] =	sst s10  }
0x38: {  	s10 =	sld [smem:$0x3FBA]  }
0x39: {  	_ = 	snop;
	(pc) =	sbr.ind lr, $3  }
0x3a: {  	_ = 	snop  }
0x3b: {  	_ = 	snop  }
0x3c: {  	p2 =	seq.s32 s10, $0x1;
	s10 =	sld [smem:$0x3FB9]  }
0x3d: {  	_ =	shalt  }
0x3e: {  	_ =	shalt  }
0x3f: {  	_ =	shalt  }
0x40: {  	_ =	shalt  }
0x41: {  	_ =	shalt  }
0x42: {  	_ =	shalt  }
0x43: {  	_ =	shalt  }
0x44: {  	_ =	shalt  }
0x45: {  	_ =	shalt  }
0x46: {  	_ =	shalt  }
0x47: {  	_ =	shalt  }
0x48: {  	_ =	shalt  }
0x49: {  	_ =	shalt  }
0x4a: {  	_ =	shalt  }
0x4b: {  	_ =	shalt  }
0x4c: {  	_ =	shalt  }
0x4d: {  	_ =	shalt  }
0x4e: {  	_ =	shalt  }
0x4f: {  	_ =	shalt  }
0x50: {  	_ =	shalt  }
0x51: {  	_ =	shalt  }
0x52: {  	_ =	shalt  }
0x53: {  	_ =	shalt  }
0x54: {  	_ =	shalt  }
0x55: {  	_ =	shalt  }
0x56: {  	_ =	shalt  }
0x57: {  	_ =	shalt  }
0x58: {  	_ =	shalt  }
0x59: {  	_ =	shalt  }
0x5a: {  	_ =	shalt  }
0x5b: {  	_ =	shalt  }
0x5c: {  	_ =	shalt  }
0x5d: {  	_ =	shalt  }
0x5e: {  	_ =	shalt  }
0x5f: {  	_ =	shalt  }
0x60: {  	_ =	shalt  }
0x61: {  	_ =	shalt  }
0x62: {  	_ =	shalt  }
0x63: {  	_ =	shalt  }
0x64: {  	_ =	shalt  }
0x65: {  	_ =	shalt  }
0x66: {  	_ =	shalt  }
0x67: {  	_ =	shalt  }
0x68: {  	_ =	shalt  }
0x69: {  	_ =	shalt  }
0x6a: {  	_ =	shalt  }
0x6b: {  	_ =	shalt  }
0x6c: {  	_ =	shalt  }
0x6d: {  	_ =	shalt  }
0x6e: {  	_ =	shalt  }
0x6f: {  	_ =	shalt  }
0x70: {  	_ =	shalt  }
0x71: {  	_ =	shalt  }
0x72: {  	_ =	shalt  }
0x73: {  	_ =	shalt  }
0x74: {  	_ =	shalt  }
0x75: {  	_ =	shalt  }
0x76: {  	_ =	shalt  }
0x77: {  	_ =	shalt  }
0x78: {  	_ =	shalt  }
0x79: {  	_ =	shalt  }
0x7a: {  	_ =	shalt  }
0x7b: {  	_ =	shalt  }
0x7c: {  	_ =	shalt  }
0x7d: {  	_ =	shalt  }
0x7e: {  	_ =	shalt  }
0x7f: {  	_ =	shalt  }
0x80: {  	_ =	shalt  }
0x81: {  	_ =	shalt  }
0x82: {  	_ =	shalt  }
0x83: {  	_ =	shalt  }
0x84: {  	_ =	shalt  }
0x85: {  	_ =	shalt  }
0x86: {  	_ =	shalt  }
0x87: {  	_ =	shalt  }
.Lfunc_end0:
.L_simem_size_0:
called_computation_lowered:
.L_overlay_start_0:
0x88: {  	s2 =	sld [smem:$0x3FD9]  }
0x89: {  	s3 =	sld [smem:$0x3FFE];
	_ =	sdelay $0x1  }
0x8a: {  	s1 =	srdreg.scid  }
0x8b: {  	s0 =	sand.u32 $0x1, s1  }
0x8c: {  	s14 =	sshll.u32 s0, $0xA;
	s2 =	sadd.s32 s3, s2  }
0x8d: {  	s2 =	sadd.s32 s2, s14  }
0x8e: {  	[smem:$0x3FC5] =	sst s2  }
0x8f: {  	_ = 	snop  }
0x90: {  	s2 =	sld [smem:$0x3FD0];
	_ =	sdelay $0x2  }
0x91: {  	s15 =	simm.s32 $0xB;
	s4 =	simm.s32 $0x10  }
0x92: {  	[smem:s4], [sflag:s15] =	dma.local [hbm:s2], $0x1  }
0x93: {  	_ =	swait.eq [sflag:s15], $0x1  }
0x94: {  	[sflag:s15] =	ssyncset.done $0x0  }
0x95: {  	[sflag:s15] =	ssyncadd.s32 $0xFFFFFFFF  }
0x96: {  	s16 =	sld [smem:$0x10];
	(tm) =	ssettm $0x1  }
0x97: {  	s17 =	sld [smem:$0x3FFB];
	_ =	sdelay $0x3  }
0x98: {  	_ =	strace s17  }
0x99: {  	s3 =	sld [smem:$0x3FFC];
	_ =	sdelay $0x3  }
0x9a: {  	_ =	strace s3  }
0x9b: {  	s3 =	sld [smem:$0x3FFD];
	_ =	sdelay $0x3  }
0x9c: {  	_ =	strace s3  }
0x9d: {  	_ =	strace $0x8FFFFFFF  }
0x9e: {  	s18 =	sld [smem:$0x3FDB];
	_ =	sdelay $0x1  }
0x9f: {  	s19 =	simm.s32 $_scs_section_size  }
0xa0: {  	s5 =	simm.s32 $_size__tile_overlayer_lowered;
	s6 =	simm.s32 $_tile_overlayer_lowered  }
0xa1: {  	s22 =	simm.s32 $0x1BFF;
	s21 =	sshll.u32 s6, $0x1;
	s3 =	sadd.s32 s19, s18  }
0xa2: {  	s7 =	simm.s32 $0x0;
	s20 =	sshll.u32 s5, $0x1;
	s5 =	sadd.s32 s21, s3  }
0xa3: {  	[timem:s7], [sflag:s22] =	dma.local [hbm:s5], s20  }
0xa4: {  	_ =	swait.ge [sflag:s22], s20  }
0xa5: {  	s4 =	ssub.s32 $0x0, s20;
	[sflag:s22] =	ssyncset.done $0x0  }
0xa6: {  	[sflag:s22] =	ssyncadd.s32 s4;
	_ =	sdelay $0x1  }
0xa7: {  	s23 =	simm.s32 $0x1B8B  }
0xa8: {  	_ =	swait.ge [sflag:s23], $0x1  }
0xa9: {  	[sflag:s23] =	ssyncset.done $0x0  }
0xaa: {  	s25 =	simm.s32 $0x1B8E;
	s24 =	sld [smem:$0x3FFE];
	[sflag:s23] =	ssyncadd.s32 $0xFFFFFFFF  }
0xab: {  	s26 =	simm.s32 $execute0_lowered;
	[smem:$0x3FD2] =	sst s25  }
0xac: {  	s5 =	sshll.u32 s26, $0x1;
	_ =	strace $0x80000046;
	[dreg:$0x1] =	wrdreg $0xFFFFFFFF  }
0xad: {  	s28 =	simm.s32 $_size_execute0_lowered;
	s3 =	sadd.s32 s3, s5;
	[dreg:$0x0] =	wrdreg $0x0  }
0xae: {  	s5 =	sshll.u32 s28, $0x1;
	[dreg:$0x2] =	wrdreg s3  }
0xaf: {  	[dreg:$0x3] =	wrdreg s5  }
0xb0: {  	[dreg:$0x4] =	wrdreg $0xC0  }
0xb1: {  	_ =	task [dreg:s7], $0x5FFFF  }
0xb2: {  	[dreg:$0x1] =	wrdreg $0xFFFFFFFF  }
0xb3: {  	[dreg:$0x0] =	wrdreg $0x60  }
0xb4: {  	[dreg:$0x2] =	wrdreg s24  }
0xb5: {  	[dreg:$0x3] =	wrdreg s16  }
0xb6: {  	[dreg:$0x4] =	wrdreg $0x9  }
0xb7: {  	_ =	task.clear_ibuf [dreg:s7], $0x5FFFF;
	_ =	strace $0x90000046  }
0xb8: {  	s29 =	simm.s32 $0x9;
	_ =	strace $0x80000048  }
0xb9: {  	_ =	swait.ge [sflag:s29], $0x1  }
0xba: {  	[sflag:s29] =	ssyncadd.s32 $0xFFFFFFFF  }
0xbb: {  	_ =	strace $0x90000048  }
0xbc: {  	_ =	sfence  }
0xbd: {  	s30 =	sld [smem:$0x0];
	_ =	sdelay $0x2  }
0xbe: {  	s31 =	sshll.u32 s1, $0xD;
	s1 =	sshrl.u32 s1, $0x2  }
0xbf: {  	s3 =	sand.u32 $0x4000, s31;
	s1 =	sadd.s32 s1, s30  }
0xc0: {  	s0 =	sor.u32 s3, s0;
	s1 =	sshll.u32 s1, $0x11  }
0xc1: {  	s0 =	sor.u32 s1, s0  }
0xc2: {  	s0 =	sadd.s32 $0x8F2B, s0  }
0xc3: {  	[sflag:s0] =	ssyncadd.remote.s32 $0x1  }
0xc4: {  	_ =	sfence.sel $0xFFFF  }
0xc5: {  	[dreg:$0x0] =	wrdreg $0xFFFFFFFF;
	(pc) =	sbr.abs _section_cstart, $3  }
0xc6: {  	[dreg:$0x1] =	wrdreg $0xFFFFFFFF  }
0xc7: {  	_ =	task.clear_ibuf [dreg:s7], $0x2FFFF;
	_ =	strace $0x9FFFFFFF  }
0xc8: {  	(tm) =	ssettm $0x7FFFFFFF  }
0xc9: {  	_ =	shalt  }
tec
execute0_lowered:
.L_overlay_start_1:
0x0: {  	(tag) =	ssettag $0x1  }
0x1: {  	s0 =	rddreg [dreg:$0x0]  }
0x2: {  	s1 =	rddreg [dreg:$0x1];
	s2 =	simm.s32 $0x0;
	s3 =	srdreg.scid  }
0x3: {  	s11 =	stileid.u32;
	s13 =	simm.s32 $0x3380;
	s14 =	simm.s32 $0x3B80  }
0x4: {  	s15 =	simm.s32 $0x4380;
	s16 =	simm.s32 $0x4B80;
	s17 =	simm.s32 $0x5380  }
0x5: {  	s18 =	simm.s32 $0x5B80;
	s19 =	simm.s32 $0x6380;
	s12 =	simm.s32 $0x9B80  }
0x6: {  	s28 =	simm.s32 $0x1;
	s29 =	simm.s32 $0x3;
	s30 =	simm.s32 $0x2  }
0x7: {  	s31 =	simm.s32 $0x4;
	[smem:$0x7FF] =	sst s2;
	s4 =	sand.u32 $0x1, s3  }
0x8: {  	s20 =	sshll.u32 s11, $0x1;
	s3 =	sadd.s32 $0x1400, s0;
	s8 =	sadd.s32 $0x20800, s0  }
0x9: {  	s11 =	smul.u32 $0x32000, s11;
	_ =	strace $0x80000047;
	s5 =	sor.u32 s4, s20  }
0xa: {  	s6 =	ssub.s32 $0x2, s4;
	s22 =	smul.u32 $0x19000, s4;
	s4 =	simm.s32 $0x1B80  }
0xb: {  	s20 =	simm.s32 $0x6B80;
	s7 =	smul.u32 $0x320, s5;
	s9 =	sshrl.u32 s6, $0x1  }
0xc: {  	s10 =	smul.u32 $0x19000, s5;
	s5 =	sadd.s32 $0x1500, s0;
	s23 =	sadd.s32 s11, s8  }
0xd: {  	s11 =	simm.s32 $0xA380;
	s9 =	ssub.s32 s6, s9;
	s6 =	sadd.s32 $0x1600, s0  }
0xe: {  	s21 =	sshrl.u32 s7, $0x3;
	s7 =	sadd.s32 $0x1700, s0;
	s24 =	smax.u32 s9, $0x1  }
0xf: {  	s25 =	sadd.s32 s8, s10;
	s0 =	sadd.s32 s22, s23;
	s8 =	simm.s32 $0xB80  }
0x10: {  	s10 =	simm.s32 $0x1380;
	s9 =	simm.s32 $0x2380;
	[dreg:$0x5] =	wrdreg s24  }
0x11: {  	s22 =	simm.s32 $0x7B80;
	s23 =	simm.s32 $0x8380;
	[dreg:$0x6] =	wrdreg s25  }
0x12: {  	s1 =	sadd.s32 s1, s21;
	s26 =	sadd.s32 $0x17C00, s25;
	[dreg:$0x3] =	wrdreg s0  }
0x13: {  	v2 =	vlaneseq.u32;
	s21 =	simm.s32 $0x7380;
	s24 =	simm.s32 $0x8B80;
	[dreg:$0x4] =	wrdreg s1  }
0x14: {  	vm0 =	vmmov $0xffff;
	v1 =	vshrl.u32 v2, $0x3;
	s25 =	simm.s32 $0x9380;
	s0 =	simm.s32 $0x0;
	[dreg:$0x7] =	wrdreg s26  }
0x15: {  	v0 =	vand.u32 $0x7, v2;
	v2 =	vor.u32 $0x8, v2;
	v1 =	vmul.u32 $0x8, v1;
	s26 =	simm.s32 $0x380;
	s1 =	simm.s32 $0x2B80;
	[dreg:$0x8] =	wrdreg s0  }
.LBB2_1:
0x16: {  	s0 =	rddreg [dreg:$0x4]  }
0x17: {  	[tilespmem:s2], [sflag:$0x5] =	stream.linear.gather [hbm4b:s0+s2], $0x320, $0x38;
	[tilespmem:$0x14380] =	vst v63  }
0x18: {  	s0 =	simm.s32 $0x5  }
0x19: {  	_ =	swait.ge [sflag:s0], $0x320  }
0x1a: {  	[sflag:s0] =	ssyncset.done $0x0  }
0x1b: {  	[sflag:s0] =	ssyncadd.s32 $0xFFFFFCE0  }
0x1c: {  	v3 =	vld [tilespmem:$0x0];
	_ =	sdelay $0x4  }
0x1d: {  	v4 =	vshll.u32 v3, $0x3  }
0x1e: {  	v3 =	vand.u32 $0x7, v3;
	v4 =	vand.u32 $0xFFFFFFC0, v4  }
0x1f: {  	v3 =	vor.u32 v3, v4  }
0x20: {  	v4 =	vperm.xlane v3, v0;
	_ =	sdelay $0x1  }
0x21: {  	v4 =	vadd.s32 v1, v4;
	_ =	sdelay $0x4  }
0x22: {  	[tilespmem:s26], [sflag:$0x1] =	stream.indirect_vreg.gather [hbm4b:s3+s2], $0x80, v4, vm0, $0xb8;
	[tilespmem:$0x14380] =	vst v63  }
0x23: {  	v3 =	vperm.xlane v3, v2  }
0x24: {  	[tilespmem:s8], [sflag:$0x1] =	stream.indirect_vreg.gather [hbm4b:s5+s2], $0x80, v4, vm0, $0xb8;
	[tilespmem:$0x14380] =	vst v63  }
0x25: {  	v3 =	vadd.s32 v1, v3  }
0x26: {  	[tilespmem:s10], [sflag:$0x1] =	stream.indirect_vreg.gather [hbm4b:s6+s2], $0x80, v4, vm0, $0xb8;
	[tilespmem:$0x14380] =	vst v63  }
0x27: {  	_ = 	snop  }
0x28: {  	[tilespmem:s4], [sflag:$0x1] =	stream.indirect_vreg.gather [hbm4b:s7+s2], $0x80, v4, vm0, $0xb8;
	[tilespmem:$0x14380] =	vst v63  }
0x29: {  	_ = 	snop  }
0x2a: {  	[tilespmem:s9], [sflag:$0x1] =	stream.indirect_vreg.gather [hbm4b:s3+s2], $0x80, v3, vm0, $0xb8;
	[tilespmem:$0x14380] =	vst v63  }
0x2b: {  	_ = 	snop  }
0x2c: {  	[tilespmem:s1], [sflag:$0x1] =	stream.indirect_vreg.gather [hbm4b:s5+s2], $0x80, v3, vm0, $0xb8;
	[tilespmem:$0x14380] =	vst v63  }
0x2d: {  	_ = 	snop  }
0x2e: {  	[tilespmem:s13], [sflag:$0x1] =	stream.indirect_vreg.gather [hbm4b:s6+s2], $0x80, v3, vm0, $0xb8;
	[tilespmem:$0x14380] =	vst v63  }
0x2f: {  	_ = 	snop  }
0x30: {  	[tilespmem:s14], [sflag:$0x1] =	stream.indirect_vreg.gather [hbm4b:s7+s2], $0x80, v3, vm0, $0xb8;
	[tilespmem:$0x14380] =	vst v63  }
0x31: {  	v3 =	vld [tilespmem:$0x10];
	_ =	sdelay $0x4  }
0x32: {  	v59 =	vshll.u32 v3, $0x3  }
0x33: {  	v3 =	vand.u32 $0x7, v3;
	v4 =	vand.u32 $0xFFFFFFC0, v59  }
0x34: {  	v3 =	vor.u32 v3, v4  }
0x35: {  	v4 =	vperm.xlane v3, v0;
	_ =	sdelay $0x1  }
0x36: {  	v4 =	vadd.s32 v1, v4;
	_ =	sdelay $0x4  }
0x37: {  	[tilespmem:s15], [sflag:$0x1] =	stream.indirect_vreg.gather [hbm4b:s3+s2], $0x80, v4, vm0, $0xb8;
	[tilespmem:$0x14380] =	vst v63  }
0x38: {  	v3 =	vperm.xlane v3, v2  }
0x39: {  	[tilespmem:s16], [sflag:$0x1] =	stream.indirect_vreg.gather [hbm4b:s5+s2], $0x80, v4, vm0, $0xb8;
	[tilespmem:$0x14380] =	vst v63  }
0x3a: {  	v3 =	vadd.s32 v1, v3  }
0x3b: {  	[tilespmem:s17], [sflag:$0x1] =	stream.indirect_vreg.gather [hbm4b:s6+s2], $0x80, v4, vm0, $0xb8;
	[tilespmem:$0x14380] =	vst v63  }
0x3c: {  	_ = 	snop  }
0x3d: {  	[tilespmem:s18], [sflag:$0x1] =	stream.indirect_vreg.gather [hbm4b:s7+s2], $0x80, v4, vm0, $0xb8;
	[tilespmem:$0x14380] =	vst v63  }
0x3e: {  	_ = 	snop  }
0x3f: {  	[tilespmem:s19], [sflag:$0x1] =	stream.indirect_vreg.gather [hbm4b:s3+s2], $0x80, v3, vm0, $0xb8;
	[tilespmem:$0x14380] =	vst v63  }
0x40: {  	_ = 	snop  }
0x41: {  	[tilespmem:s20], [sflag:$0x1] =	stream.indirect_vreg.gather [hbm4b:s5+s2], $0x80, v3, vm0, $0xb8;
	[tilespmem:$0x14380] =	vst v63  }
0x42: {  	_ = 	snop  }
0x43: {  	[tilespmem:s21], [sflag:$0x1] =	stream.indirect_vreg.gather [hbm4b:s6+s2], $0x80, v3, vm0, $0xb8;
	[tilespmem:$0x14380] =	vst v63  }
0x44: {  	_ = 	snop  }
0x45: {  	[tilespmem:s22], [sflag:$0x1] =	stream.indirect_vreg.gather [hbm4b:s7+s2], $0x80, v3, vm0, $0xb8;
	[tilespmem:$0x14380] =	vst v63  }
0x46: {  	v3 =	vld.msk [tilespmem:$0x20], $0xff;
	_ =	sdelay $0x4  }
0x47: {  	v60 =	vshll.u32 v3, $0x3  }
0x48: {  	v3 =	vand.u32 $0x7, v3;
	v4 =	vand.u32 $0xFFFFFFC0, v60  }
0x49: {  	v3 =	vor.u32 v3, v4  }
0x4a: {  	v3 =	vperm.xlane v3, v0;
	_ =	sdelay $0x1  }
0x4b: {  	v3 =	vadd.s32 v1, v3;
	_ =	sdelay $0x4  }
0x4c: {  	[tilespmem:s23], [sflag:$0x1] =	stream.indirect_vreg.gather [hbm4b:s3+s2], $0x80, v3, vm0, $0xb8;
	[tilespmem:$0x14380] =	vst v63  }
0x4d: {  	_ = 	snop  }
0x4e: {  	[tilespmem:s24], [sflag:$0x1] =	stream.indirect_vreg.gather [hbm4b:s5+s2], $0x80, v3, vm0, $0xb8;
	[tilespmem:$0x14380] =	vst v63  }
0x4f: {  	_ = 	snop  }
0x50: {  	[tilespmem:s25], [sflag:$0x1] =	stream.indirect_vreg.gather [hbm4b:s6+s2], $0x80, v3, vm0, $0xb8;
	[tilespmem:$0x14380] =	vst v63  }
0x51: {  	_ = 	snop  }
0x52: {  	[tilespmem:s12], [sflag:$0x1] =	stream.indirect_vreg.gather [hbm4b:s7+s2], $0x80, v3, vm0, $0xb8;
	[tilespmem:$0x14380] =	vst v63  }
0x53: {  	v3 =	vld [tilespmem:$0x28];
	_ =	sdelay $0x4  }
0x54: {  	v61 =	vshll.u32 v3, $0x3  }
0x55: {  	v3 =	vand.u32 $0x7, v3;
	v4 =	vand.u32 $0xFFFFFFC0, v61  }
0x56: {  	v3 =	vor.u32 v3, v4  }
0x57: {  	v4 =	vperm.xlane v3, v0;
	_ =	sdelay $0x1  }
0x58: {  	v4 =	vadd.s32 v1, v4;
	_ =	sdelay $0x4  }
0x59: {  	[tilespmem:s11], [sflag:$0x2] =	stream.indirect_vreg.gather [hbm4b:s3+s2], $0x80, v4, vm0, $0xb8;
	[tilespmem:$0x14380] =	vst v63  }
0x5a: {  	s24 =	simm.s32 $0xAB80;
	v3 =	vperm.xlane v3, v2  }
0x5b: {  	[tilespmem:s24], [sflag:$0x2] =	stream.indirect_vreg.gather [hbm4b:s5+s2], $0x80, v4, vm0, $0xb8;
	[tilespmem:$0x14380] =	vst v63  }
0x5c: {  	s25 =	simm.s32 $0xB380;
	v3 =	vadd.s32 v1, v3  }
0x5d: {  	[tilespmem:s25], [sflag:$0x2] =	stream.indirect_vreg.gather [hbm4b:s6+s2], $0x80, v4, vm0, $0xb8;
	[tilespmem:$0x14380] =	vst v63  }
0x5e: {  	s1 =	simm.s32 $0xBB80  }
0x5f: {  	[tilespmem:s1], [sflag:$0x2] =	stream.indirect_vreg.gather [hbm4b:s7+s2], $0x80, v4, vm0, $0xb8;
	[tilespmem:$0x14380] =	vst v63  }
0x60: {  	s4 =	simm.s32 $0xC380  }
0x61: {  	[tilespmem:s4], [sflag:$0x2] =	stream.indirect_vreg.gather [hbm4b:s3+s2], $0x80, v3, vm0, $0xb8;
	[tilespmem:$0x14380] =	vst v63  }
0x62: {  	s9 =	simm.s32 $0xCB80  }
0x63: {  	[tilespmem:s9], [sflag:$0x2] =	stream.indirect_vreg.gather [hbm4b:s5+s2], $0x80, v3, vm0, $0xb8;
	[tilespmem:$0x14380] =	vst v63  }
0x64: {  	s11 =	simm.s32 $0xD380  }
0x65: {  	[tilespmem:s11], [sflag:$0x2] =	stream.indirect_vreg.gather [hbm4b:s6+s2], $0x80, v3, vm0, $0xb8;
	[tilespmem:$0x14380] =	vst v63  }
0x66: {  	s12 =	simm.s32 $0xDB80  }
0x67: {  	[tilespmem:s12], [sflag:$0x2] =	stream.indirect_vreg.gather [hbm4b:s7+s2], $0x80, v3, vm0, $0xb8;
	[tilespmem:$0x14380] =	vst v63  }
0x68: {  	v3 =	vld [tilespmem:$0x38];
	_ =	sdelay $0x4  }
0x69: {  	v62 =	vshll.u32 v3, $0x3  }
0x6a: {  	v3 =	vand.u32 $0x7, v3;
	v4 =	vand.u32 $0xFFFFFFC0, v62  }
0x6b: {  	v3 =	vor.u32 v3, v4  }
0x6c: {  	v4 =	vperm.xlane v3, v0;
	_ =	sdelay $0x1  }
0x6d: {  	v4 =	vadd.s32 v1, v4;
	_ =	sdelay $0x3  }
0x6e: {  	s13 =	simm.s32 $0xE380  }
0x6f: {  	[tilespmem:s13], [sflag:$0x2] =	stream.indirect_vreg.gather [hbm4b:s3+s2], $0x80, v4, vm0, $0xb8;
	[tilespmem:$0x14380] =	vst v63  }
0x70: {  	s14 =	simm.s32 $0xEB80;
	v3 =	vperm.xlane v3, v2  }
0x71: {  	[tilespmem:s14], [sflag:$0x2] =	stream.indirect_vreg.gather [hbm4b:s5+s2], $0x80, v4, vm0, $0xb8;
	[tilespmem:$0x14380] =	vst v63  }
0x72: {  	s15 =	simm.s32 $0xF380;
	v3 =	vadd.s32 v1, v3  }
0x73: {  	[tilespmem:s15], [sflag:$0x2] =	stream.indirect_vreg.gather [hbm4b:s6+s2], $0x80, v4, vm0, $0xb8;
	[tilespmem:$0x14380] =	vst v63  }
0x74: {  	s16 =	simm.s32 $0xFB80  }
0x75: {  	[tilespmem:s16], [sflag:$0x2] =	stream.indirect_vreg.gather [hbm4b:s7+s2], $0x80, v4, vm0, $0xb8;
	[tilespmem:$0x14380] =	vst v63  }
0x76: {  	s17 =	simm.s32 $0x10380  }
0x77: {  	[tilespmem:s17], [sflag:$0x2] =	stream.indirect_vreg.gather [hbm4b:s3+s2], $0x80, v3, vm0, $0xb8;
	[tilespmem:$0x14380] =	vst v63  }
0x78: {  	s18 =	simm.s32 $0x10B80  }
0x79: {  	[tilespmem:s18], [sflag:$0x2] =	stream.indirect_vreg.gather [hbm4b:s5+s2], $0x80, v3, vm0, $0xb8;
	[tilespmem:$0x14380] =	vst v63  }
0x7a: {  	s19 =	simm.s32 $0x11380  }
0x7b: {  	[tilespmem:s19], [sflag:$0x2] =	stream.indirect_vreg.gather [hbm4b:s6+s2], $0x80, v3, vm0, $0xb8;
	[tilespmem:$0x14380] =	vst v63  }
0x7c: {  	s20 =	simm.s32 $0x11B80  }
0x7d: {  	[tilespmem:s20], [sflag:$0x2] =	stream.indirect_vreg.gather [hbm4b:s7+s2], $0x80, v3, vm0, $0xb8;
	[tilespmem:$0x14380] =	vst v63  }
0x7e: {  	v3 =	vld.msk [tilespmem:$0x48], $0xff;
	_ =	sdelay $0x4  }
0x7f: {  	v63 =	vshll.u32 v3, $0x3  }
0x80: {  	v3 =	vand.u32 $0x7, v3;
	v4 =	vand.u32 $0xFFFFFFC0, v63  }
0x81: {  	v3 =	vor.u32 v3, v4  }
0x82: {  	v3 =	vperm.xlane v3, v0;
	_ =	sdelay $0x1  }
0x83: {  	v3 =	vadd.s32 v1, v3;
	_ =	sdelay $0x2  }
0x84: {  	s0 =	simm.s32 $0xFFFE9800;
	s21 =	simm.s32 $0x12380  }
0x85: {  	s22 =	simm.s32 $0x12B80;
	s23 =	simm.s32 $0x13380;
	s24 =	simm.s32 $0x13B80  }
0x86: {  	[tilespmem:s21], [sflag:$0x2] =	stream.indirect_vreg.gather [hbm4b:s3+s2], $0x80, v3, vm0, $0xb8;
	[tilespmem:$0x14380] =	vst v63  }
0x87: {  	s1 =	simm.s32 $0x380;
	s4 =	simm.s32 $0x98;
	s9 =	simm.s32 $0x1B80  }
0x88: {  	[tilespmem:s22], [sflag:$0x2] =	stream.indirect_vreg.gather [hbm4b:s5+s2], $0x80, v3, vm0, $0xb8;
	[tilespmem:$0x14380] =	vst v63  }
0x89: {  	s12 =	simm.s32 $0x9B80;
	s13 =	simm.s32 $0x2B80;
	s15 =	simm.s32 $0x3B80  }
0x8a: {  	[tilespmem:s23], [sflag:$0x2] =	stream.indirect_vreg.gather [hbm4b:s6+s2], $0x80, v3, vm0, $0xb8;
	[tilespmem:$0x14380] =	vst v63  }
0x8b: {  	s16 =	simm.s32 $0x4380;
	s17 =	simm.s32 $0x4B80;
	s18 =	simm.s32 $0x5380  }
0x8c: {  	[tilespmem:s24], [sflag:$0x2] =	stream.indirect_vreg.gather [hbm4b:s7+s2], $0x80, v3, vm0, $0xb8;
	[tilespmem:$0x14380] =	vst v63  }
0x8d: {  	s19 =	simm.s32 $0x5B80;
	s20 =	simm.s32 $0x6380;
	_ =	swait.ge [sflag:s28], $0xA000  }
0x8e: {  	s21 =	simm.s32 $0x6B80;
	s22 =	simm.s32 $0x7380;
	[sflag:s28] =	ssyncset.done $0x0  }
0x8f: {  	s23 =	simm.s32 $0x7B80;
	s25 =	rddreg [dreg:$0x6];
	[sflag:s28] =	ssyncadd.s32 $0xFFFF6000  }
0x90: {  	[hbm4b:s25+s2] =	stream.linear.scatter [tilespmem:s26], [sflag:$0x3], $0xA000, $0x38;
	[tilespmem:$0x14380] =	vst v63  }
0x91: {  	s24 =	simm.s32 $0x8380;
	s26 =	simm.s32 $0x9380;
	s25 =	simm.s32 $0x8B80  }
.LBB2_2:
0x92: {  	_ =	swait.ge [sflag:s29], $0xA000  }
0x93: {  	[sflag:s29] =	ssyncset.done $0x0  }
0x94: {  	[sflag:s29] =	ssyncadd.s32 $0xFFFF6000  }
0x95: {  	v3 =	vld [tilespmem:s4+$0xFFFFFFB8];
	_ =	sdelay $0x4  }
0x96: {  	v4 =	vshll.u32 v3, $0x3  }
0x97: {  	v3 =	vand.u32 $0x7, v3;
	v4 =	vand.u32 $0xFFFFFFC0, v4  }
0x98: {  	v3 =	vor.u32 v3, v4  }
0x99: {  	v4 =	vperm.xlane v3, v0;
	_ =	sdelay $0x1  }
0x9a: {  	v4 =	vadd.s32 v1, v4;
	_ =	sdelay $0x4  }
0x9b: {  	[tilespmem:s1], [sflag:$0x1] =	stream.indirect_vreg.gather [hbm4b:s3+s2], $0x80, v4, vm0, $0xb8;
	[tilespmem:$0x14380] =	vst v63  }
0x9c: {  	v3 =	vperm.xlane v3, v2  }
0x9d: {  	[tilespmem:s8], [sflag:$0x1] =	stream.indirect_vreg.gather [hbm4b:s5+s2], $0x80, v4, vm0, $0xb8;
	[tilespmem:$0x14380] =	vst v63  }
0x9e: {  	v3 =	vadd.s32 v1, v3  }
0x9f: {  	[tilespmem:s10], [sflag:$0x1] =	stream.indirect_vreg.gather [hbm4b:s6+s2], $0x80, v4, vm0, $0xb8;
	[tilespmem:$0x14380] =	vst v63  }
0xa0: {  	_ = 	snop  }
0xa1: {  	[tilespmem:s9], [sflag:$0x1] =	stream.indirect_vreg.gather [hbm4b:s7+s2], $0x80, v4, vm0, $0xb8;
	[tilespmem:$0x14380] =	vst v63  }
0xa2: {  	s11 =	simm.s32 $0x2380  }
0xa3: {  	[tilespmem:s11], [sflag:$0x1] =	stream.indirect_vreg.gather [hbm4b:s3+s2], $0x80, v3, vm0, $0xb8;
	[tilespmem:$0x14380] =	vst v63  }
0xa4: {  	_ = 	snop  }
0xa5: {  	[tilespmem:s13], [sflag:$0x1] =	stream.indirect_vreg.gather [hbm4b:s5+s2], $0x80, v3, vm0, $0xb8;
	[tilespmem:$0x14380] =	vst v63  }
0xa6: {  	s14 =	simm.s32 $0x3380  }
0xa7: {  	[tilespmem:s14], [sflag:$0x1] =	stream.indirect_vreg.gather [hbm4b:s6+s2], $0x80, v3, vm0, $0xb8;
	[tilespmem:$0x14380] =	vst v63  }
0xa8: {  	_ = 	snop  }
0xa9: {  	[tilespmem:s15], [sflag:$0x1] =	stream.indirect_vreg.gather [hbm4b:s7+s2], $0x80, v3, vm0, $0xb8;
	[tilespmem:$0x14380] =	vst v63  }
0xaa: {  	v3 =	vld [tilespmem:s4+$0xFFFFFFC8];
	_ =	sdelay $0x4  }
0xab: {  	v59 =	vshll.u32 v3, $0x3  }
0xac: {  	v3 =	vand.u32 $0x7, v3;
	v4 =	vand.u32 $0xFFFFFFC0, v59  }
0xad: {  	v3 =	vor.u32 v3, v4  }
0xae: {  	v4 =	vperm.xlane v3, v0;
	_ =	sdelay $0x1  }
0xaf: {  	v4 =	vadd.s32 v1, v4;
	_ =	sdelay $0x4  }
0xb0: {  	[tilespmem:s16], [sflag:$0x1] =	stream.indirect_vreg.gather [hbm4b:s3+s2], $0x80, v4, vm0, $0xb8;
	[tilespmem:$0x14380] =	vst v63  }
0xb1: {  	v3 =	vperm.xlane v3, v2  }
0xb2: {  	[tilespmem:s17], [sflag:$0x1] =	stream.indirect_vreg.gather [hbm4b:s5+s2], $0x80, v4, vm0, $0xb8;
	[tilespmem:$0x14380] =	vst v63  }
0xb3: {  	v3 =	vadd.s32 v1, v3  }
0xb4: {  	[tilespmem:s18], [sflag:$0x1] =	stream.indirect_vreg.gather [hbm4b:s6+s2], $0x80, v4, vm0, $0xb8;
	[tilespmem:$0x14380] =	vst v63  }
0xb5: {  	_ = 	snop  }
0xb6: {  	[tilespmem:s19], [sflag:$0x1] =	stream.indirect_vreg.gather [hbm4b:s7+s2], $0x80, v4, vm0, $0xb8;
	[tilespmem:$0x14380] =	vst v63  }
0xb7: {  	_ = 	snop  }
0xb8: {  	[tilespmem:s20], [sflag:$0x1] =	stream.indirect_vreg.gather [hbm4b:s3+s2], $0x80, v3, vm0, $0xb8;
	[tilespmem:$0x14380] =	vst v63  }
0xb9: {  	_ = 	snop  }
0xba: {  	[tilespmem:s21], [sflag:$0x1] =	stream.indirect_vreg.gather [hbm4b:s5+s2], $0x80, v3, vm0, $0xb8;
	[tilespmem:$0x14380] =	vst v63  }
0xbb: {  	_ = 	snop  }
0xbc: {  	[tilespmem:s22], [sflag:$0x1] =	stream.indirect_vreg.gather [hbm4b:s6+s2], $0x80, v3, vm0, $0xb8;
	[tilespmem:$0x14380] =	vst v63  }
0xbd: {  	_ = 	snop  }
0xbe: {  	[tilespmem:s23], [sflag:$0x1] =	stream.indirect_vreg.gather [hbm4b:s7+s2], $0x80, v3, vm0, $0xb8;
	[tilespmem:$0x14380] =	vst v63  }
0xbf: {  	v3 =	vld.msk [tilespmem:s4+$0xFFFFFFD8], $0xff;
	_ =	sdelay $0x4  }
0xc0: {  	v60 =	vshll.u32 v3, $0x3  }
0xc1: {  	v3 =	vand.u32 $0x7, v3;
	v4 =	vand.u32 $0xFFFFFFC0, v60  }
0xc2: {  	v3 =	vor.u32 v3, v4  }
0xc3: {  	v3 =	vperm.xlane v3, v0;
	_ =	sdelay $0x1  }
0xc4: {  	v3 =	vadd.s32 v1, v3;
	_ =	sdelay $0x4  }
0xc5: {  	[tilespmem:s24], [sflag:$0x1] =	stream.indirect_vreg.gather [hbm4b:s3+s2], $0x80, v3, vm0, $0xb8;
	[tilespmem:$0x14380] =	vst v63  }
0xc6: {  	_ = 	snop  }
0xc7: {  	[tilespmem:s25], [sflag:$0x1] =	stream.indirect_vreg.gather [hbm4b:s5+s2], $0x80, v3, vm0, $0xb8;
	[tilespmem:$0x14380] =	vst v63  }
0xc8: {  	_ = 	snop  }
0xc9: {  	[tilespmem:s26], [sflag:$0x1] =	stream.indirect_vreg.gather [hbm4b:s6+s2], $0x80, v3, vm0, $0xb8;
	[tilespmem:$0x14380] =	vst v63  }
0xca: {  	_ = 	snop  }
0xcb: {  	[tilespmem:s12], [sflag:$0x1] =	stream.indirect_vreg.gather [hbm4b:s7+s2], $0x80, v3, vm0, $0xb8;
	[tilespmem:$0x14380] =	vst v63  }
0xcc: {  	_ =	swait.ge [sflag:s30], $0xA000  }
0xcd: {  	s10 =	rddreg [dreg:$0x3]  }
0xce: {  	[sflag:s30] =	ssyncset.done $0x0;
	s8 =	sadd.s32 s0, s10  }
0xcf: {  	s14 =	simm.s32 $0xA380;
	[sflag:s30] =	ssyncadd.s32 $0xFFFF6000;
	s11 =	sadd.s32 $0x17C00, s8  }
0xd0: {  	[hbm4b:s11+s2] =	stream.linear.scatter [tilespmem:s14], [sflag:$0x4], $0xA000, $0x38;
	[tilespmem:$0x14380] =	vst v63  }
0xd1: {  	_ =	swait.ge [sflag:s31], $0xA000  }
0xd2: {  	[sflag:s31] =	ssyncset.done $0x0  }
0xd3: {  	[sflag:s31] =	ssyncadd.s32 $0xFFFF6000  }
0xd4: {  	v3 =	vld [tilespmem:s4+$0xFFFFFFE0];
	_ =	sdelay $0x4  }
0xd5: {  	v61 =	vshll.u32 v3, $0x3  }
0xd6: {  	v3 =	vand.u32 $0x7, v3;
	v4 =	vand.u32 $0xFFFFFFC0, v61  }
0xd7: {  	v3 =	vor.u32 v3, v4  }
0xd8: {  	v4 =	vperm.xlane v3, v0;
	_ =	sdelay $0x1  }
0xd9: {  	v4 =	vadd.s32 v1, v4;
	_ =	sdelay $0x4  }
0xda: {  	[tilespmem:s14], [sflag:$0x2] =	stream.indirect_vreg.gather [hbm4b:s3+s2], $0x80, v4, vm0, $0xb8;
	[tilespmem:$0x14380] =	vst v63  }
0xdb: {  	v3 =	vperm.xlane v3, v2;
	s14 =	simm.s32 $0xAB80  }
0xdc: {  	[tilespmem:s14], [sflag:$0x2] =	stream.indirect_vreg.gather [hbm4b:s5+s2], $0x80, v4, vm0, $0xb8;
	[tilespmem:$0x14380] =	vst v63  }
0xdd: {  	v3 =	vadd.s32 v1, v3;
	s14 =	simm.s32 $0xB380  }
0xde: {  	[tilespmem:s14], [sflag:$0x2] =	stream.indirect_vreg.gather [hbm4b:s6+s2], $0x80, v4, vm0, $0xb8;
	[tilespmem:$0x14380] =	vst v63  }
0xdf: {  	s14 =	simm.s32 $0xBB80  }
0xe0: {  	[tilespmem:s14], [sflag:$0x2] =	stream.indirect_vreg.gather [hbm4b:s7+s2], $0x80, v4, vm0, $0xb8;
	[tilespmem:$0x14380] =	vst v63  }
0xe1: {  	s14 =	simm.s32 $0xC380  }
0xe2: {  	[tilespmem:s14], [sflag:$0x2] =	stream.indirect_vreg.gather [hbm4b:s3+s2], $0x80, v3, vm0, $0xb8;
	[tilespmem:$0x14380] =	vst v63  }
0xe3: {  	s14 =	simm.s32 $0xCB80  }
0xe4: {  	[tilespmem:s14], [sflag:$0x2] =	stream.indirect_vreg.gather [hbm4b:s5+s2], $0x80, v3, vm0, $0xb8;
	[tilespmem:$0x14380] =	vst v63  }
0xe5: {  	s14 =	simm.s32 $0xD380  }
0xe6: {  	[tilespmem:s14], [sflag:$0x2] =	stream.indirect_vreg.gather [hbm4b:s6+s2], $0x80, v3, vm0, $0xb8;
	[tilespmem:$0x14380] =	vst v63  }
0xe7: {  	s14 =	simm.s32 $0xDB80  }
0xe8: {  	[tilespmem:s14], [sflag:$0x2] =	stream.indirect_vreg.gather [hbm4b:s7+s2], $0x80, v3, vm0, $0xb8;
	[tilespmem:$0x14380] =	vst v63  }
0xe9: {  	v3 =	vld [tilespmem:s4+$0xFFFFFFF0];
	_ =	sdelay $0x4  }
0xea: {  	v62 =	vshll.u32 v3, $0x3  }
0xeb: {  	v3 =	vand.u32 $0x7, v3;
	v4 =	vand.u32 $0xFFFFFFC0, v62  }
0xec: {  	v3 =	vor.u32 v3, v4  }
0xed: {  	v4 =	vperm.xlane v3, v0;
	_ =	sdelay $0x1  }
0xee: {  	v4 =	vadd.s32 v1, v4;
	_ =	sdelay $0x3  }
0xef: {  	s14 =	simm.s32 $0xE380  }
0xf0: {  	[tilespmem:s14], [sflag:$0x2] =	stream.indirect_vreg.gather [hbm4b:s3+s2], $0x80, v4, vm0, $0xb8;
	[tilespmem:$0x14380] =	vst v63  }
0xf1: {  	v3 =	vperm.xlane v3, v2;
	s14 =	simm.s32 $0xEB80  }
0xf2: {  	[tilespmem:s14], [sflag:$0x2] =	stream.indirect_vreg.gather [hbm4b:s5+s2], $0x80, v4, vm0, $0xb8;
	[tilespmem:$0x14380] =	vst v63  }
0xf3: {  	v3 =	vadd.s32 v1, v3;
	s14 =	simm.s32 $0xF380  }
0xf4: {  	[tilespmem:s14], [sflag:$0x2] =	stream.indirect_vreg.gather [hbm4b:s6+s2], $0x80, v4, vm0, $0xb8;
	[tilespmem:$0x14380] =	vst v63  }
0xf5: {  	s14 =	simm.s32 $0xFB80  }
0xf6: {  	[tilespmem:s14], [sflag:$0x2] =	stream.indirect_vreg.gather [hbm4b:s7+s2], $0x80, v4, vm0, $0xb8;
	[tilespmem:$0x14380] =	vst v63  }
0xf7: {  	s14 =	simm.s32 $0x10380  }
0xf8: {  	[tilespmem:s14], [sflag:$0x2] =	stream.indirect_vreg.gather [hbm4b:s3+s2], $0x80, v3, vm0, $0xb8;
	[tilespmem:$0x14380] =	vst v63  }
0xf9: {  	s14 =	simm.s32 $0x10B80  }
0xfa: {  	[tilespmem:s14], [sflag:$0x2] =	stream.indirect_vreg.gather [hbm4b:s5+s2], $0x80, v3, vm0, $0xb8;
	[tilespmem:$0x14380] =	vst v63  }
0xfb: {  	s14 =	simm.s32 $0x11380  }
0xfc: {  	[tilespmem:s14], [sflag:$0x2] =	stream.indirect_vreg.gather [hbm4b:s6+s2], $0x80, v3, vm0, $0xb8;
	[tilespmem:$0x14380] =	vst v63  }
0xfd: {  	s14 =	simm.s32 $0x11B80  }
0xfe: {  	[tilespmem:s14], [sflag:$0x2] =	stream.indirect_vreg.gather [hbm4b:s7+s2], $0x80, v3, vm0, $0xb8;
	[tilespmem:$0x14380] =	vst v63  }
0xff: {  	v3 =	vld.msk [tilespmem:s4+$0x0], $0xff;
	_ =	sdelay $0x4  }
0x100: {  	v63 =	vshll.u32 v3, $0x3  }
0x101: {  	v3 =	vand.u32 $0x7, v3;
	v4 =	vand.u32 $0xFFFFFFC0, v63  }
0x102: {  	v3 =	vor.u32 v3, v4  }
0x103: {  	v3 =	vperm.xlane v3, v0;
	_ =	sdelay $0x1  }
0x104: {  	v3 =	vadd.s32 v1, v3;
	_ =	sdelay $0x3  }
0x105: {  	s14 =	simm.s32 $0x12380  }
0x106: {  	[tilespmem:s14], [sflag:$0x2] =	stream.indirect_vreg.gather [hbm4b:s3+s2], $0x80, v3, vm0, $0xb8;
	[tilespmem:$0x14380] =	vst v63  }
0x107: {  	s14 =	simm.s32 $0x12B80  }
0x108: {  	[tilespmem:s14], [sflag:$0x2] =	stream.indirect_vreg.gather [hbm4b:s5+s2], $0x80, v3, vm0, $0xb8;
	[tilespmem:$0x14380] =	vst v63  }
0x109: {  	s14 =	simm.s32 $0x13380  }
0x10a: {  	[tilespmem:s14], [sflag:$0x2] =	stream.indirect_vreg.gather [hbm4b:s6+s2], $0x80, v3, vm0, $0xb8;
	[tilespmem:$0x14380] =	vst v63  }
0x10b: {  	p0 =	sne.s32 s0, $0xFFFFD800;
	s14 =	simm.s32 $0x13B80  }
0x10c: {  	[tilespmem:s14], [sflag:$0x2] =	stream.indirect_vreg.gather [hbm4b:s7+s2], $0x80, v3, vm0, $0xb8;
	[tilespmem:$0x14380] =	vst v63  }
.Ltmp0:
0x10d: {  	_ =	swait.ge [sflag:s28], $0xA000;
	(pc) =	sbr.rel @p0 .LBB2_2-.Ltmp0, $4  }
0x10e: {  	s10 =	simm.s32 $0x1380;
	[sflag:s28] =	ssyncset.done $0x0  }
0x10f: {  	s0 =	sadd.s32 $0x2800, s0;
	s8 =	sadd.s32 $0x19000, s8;
	[sflag:s28] =	ssyncadd.s32 $0xFFFF6000  }
0x110: {  	[hbm4b:s8+s2] =	stream.linear.scatter [tilespmem:s1], [sflag:$0x3], $0xA000, $0x38;
	[tilespmem:$0x14380] =	vst v63  }
0x111: {  	s11 =	simm.s32 $0xA380;
	s4 =	sadd.s32 $0x50, s4;
	s8 =	simm.s32 $0xB80  }
0x112: {  	_ =	swait.ge [sflag:s30], $0xA000  }
0x113: {  	[sflag:s30] =	ssyncset.done $0x0  }
0x114: {  	s0 =	rddreg [dreg:$0x7];
	[sflag:s30] =	ssyncadd.s32 $0xFFFF6000  }
0x115: {  	[hbm4b:s0+s2] =	stream.linear.scatter [tilespmem:s11], [sflag:$0x4], $0xA000, $0x38;
	[tilespmem:$0x14380] =	vst v63  }
0x116: {  	_ =	swait.ge [sflag:s29], $0xA000  }
0x117: {  	[sflag:s29] =	ssyncset.done $0x0  }
0x118: {  	[sflag:s29] =	ssyncadd.s32 $0xFFFF6000  }
0x119: {  	s4 =	simm.s32 $0x1B80;
	s9 =	simm.s32 $0x2380;
	_ =	swait.ge [sflag:s31], $0xA000  }
0x11a: {  	s13 =	simm.s32 $0x3380;
	s14 =	simm.s32 $0x3B80;
	s1 =	rddreg [dreg:$0x8]  }
0x11b: {  	s15 =	simm.s32 $0x4380;
	s26 =	rddreg [dreg:$0x5];
	s1 =	sadd.s32 $0x1, s1  }
0x11c: {  	s16 =	simm.s32 $0x4B80;
	s17 =	simm.s32 $0x5380;
	p0 =	sne.s32 s1, s26  }
.Ltmp1:
0x11d: {  	s18 =	simm.s32 $0x5B80;
	s19 =	simm.s32 $0x6380;
	(pc) =	sbr.rel @p0 .LBB2_1-.Ltmp1, $4  }
0x11e: {  	s20 =	simm.s32 $0x6B80;
	s21 =	simm.s32 $0x7380;
	s22 =	simm.s32 $0x7B80  }
0x11f: {  	s23 =	simm.s32 $0x8380;
	s24 =	simm.s32 $0x8B80;
	[sflag:s31] =	ssyncset.done $0x0  }
0x120: {  	s25 =	simm.s32 $0x9380;
	s12 =	simm.s32 $0x9B80;
	[sflag:s31] =	ssyncadd.s32 $0xFFFF6000  }
0x121: {  	[dreg:$0x8] =	wrdreg s1;
	s1 =	simm.s32 $0x2B80;
	s26 =	simm.s32 $0x380  }
0x122: {  	_ =	sfence.sel $0x180000  }
0x123: {  	[bflag:$0x0] =	sbarrier.arrive $0xFFFF  }
0x124: {  	_ =	strace $0x90000047  }
0x125: {  	s0 =	stileid.u32;
	[bflag:$0x2] =	sbarrier.arrive $0xFFFF  }
0x126: {  	p0 =	sne.s32 s0, $0x0;
	s0 =	rddreg [dreg:$0x2]  }
0x127: {  	s0 =	sadd.s32 @!p0 $0x100000, s0  }
0x128: {  	[sflag:s0] =	ssyncadd.tile.s32 @!p0 $0x1;
	_ =	shalt  }
.Lfunc_end2:
_tile_overlayer_lowered:
.L_overlay_start_2:
0x129: {  	(tag) =	ssettag $0x2  }
0x12a: {  	s0 =	rddreg [dreg:$0x0];
	s2 =	stileid.u32  }
0x12b: {  	s1 =	rddreg [dreg:$0x1];
	p0 =	sne.s32 s2, $0x0  }
0x12c: {  	s3 =	rddreg [dreg:$0x2];
	[bflag:$0x3] =	sbarrier.arrive $0xFFFF;
	s2 =	simm.s32 @!p0 $0x1C05  }
0x12d: {  	[timem:s3], [sflag:s2] =	dma.local @!p0 [hbm:s0], s1  }
0x12e: {  	s0 =	simm.s32 @!p0 $0x5  }
0x12f: {  	_ =	swait.ge @!p0 [sflag:s0], s1  }
0x130: {  	s1 =	ssub.s32 @!p0 $0x0, s1;
	[sflag:s0] =	ssyncset.done @!p0 $0x0  }
0x131: {  	[sflag:s0] =	ssyncadd.s32 @!p0 s1  }
0x132: {  	[bflag:$0x3] =	sbarrier.arrive $0xFFFF  }
0x133: {  	_ =	shalt  }

// kernel: kernel.9.cloned.1.call-start
scs
__scs_entry_jumppad:
0x0: {  	(pc) =	sbr.rel $0x88, $3  }
0x1: {  	(tag) =	ssettag $0x0;
	lr =	simm.s32 $0x1  }
0x2: {  	[smem:$0x3F9E] =	sst lr;
	_ =	strace $0xD0000000  }
0x3: {  	_ = 	snop  }
0x4: {  	_ = 	snop  }
0x5: {  	_ = 	snop  }
0x6: {  	_ = 	snop  }
0x7: {  	_ = 	snop  }
__scs_overlays_trampoline_lowered:
0x8: {  	[smem:$0x3FAD] =	sst s0  }
0x9: {  	[smem:$0x3FAE] =	sst s1  }
0xa: {  	[smem:$0x3FAF] =	sst s2  }
0xb: {  	[smem:$0x3FB0] =	sst s3  }
0xc: {  	[smem:$0x3FB1] =	sst s4  }
0xd: {  	[smem:$0x3FB2] =	sst s5  }
0xe: {  	[smem:$0x3FB3] =	sst s6  }
0xf: {  	[smem:$0x3FB4] =	sst s7  }
0x10: {  	[smem:$0x3FB5] =	sst s8  }
0x11: {  	[smem:$0x3FB6] =	sst s9;
	s0 =	simm.s32 @!p0 $0x0  }
0x12: {  	s1 =	sld [smem:$0x3F9C];
	s0 =	simm.s32 @p0 $0x1  }
0x13: {  	[smem:$0x3FB7] =	sst s0;
	s0 =	simm.s32 @!p1 $0x0  }
0x14: {  	s2 =	sld [smem:$0x3F9B];
	s0 =	simm.s32 @p1 $0x1  }
0x15: {  	[smem:$0x3FB8] =	sst s0;
	s0 =	simm.s32 @!p2 $0x0  }
0x16: {  	s3 =	sld [smem:$0x3FDB];
	s0 =	simm.s32 @p2 $0x1  }
0x17: {  	s4 =	simm.s32 $0x1BF5;
	[smem:$0x3FBA] =	sst s0  }
0x18: {  	s0 =	sld [smem:$0x3F9D];
	_ =	swait.ge [sflag:s4], $0x0  }
0x19: {  	s7 =	sld [smem:$0x3F9E]  }
0x1a: {  	s8 =	sadd.s32 $0xFFFFE003, lr  }
0x1b: {  	s9 =	sadd.s32 $0xFFFFFEF7, lr;
	s5 =	simm.s32 $0xFFFFFFFF;
	p2 =	slt.u32 s8, $0xFFFFF086  }
0x1c: {  	p1 =	slt.u32 s9, $0xF7A;
	s5 =	simm.s32 @!p2 $0x0  }
0x1d: {  	s5 =	simm.s32 @p1 $0x1;
	p0 =	seq.s32 s7, s2  }
0x1e: {  	s7 =	smul.u32 @!p0 $0xF7A, s2;
	p2 =	seq.s32 @!p0 s5, $0x0  }
0x1f: {  	s9 =	smul.u32 $0xF7A, s1;
	s8 =	simm.s32 @!p0 $0x1BF5;
	p2 =	por !p2, p0  }
0x20: {  	[sflag:s8] =	ssyncset.s32 @!p0 $0xFFFFF086;
	s6 =	sadd.s32 @!p0 s3, s7;
	s7 =	simm.s32 @!p0 $0x108  }
0x21: {  	s3 =	sadd.s32 s3, s9;
	s6 =	sadd.s32 @!p0 $0x88, s6;
	s7 =	simm.s32 @p2 $0x1082  }
0x22: {  	[simem:s7], [sflag:s8] =	dma.local @!p0 [hbm:s6], $0xF7A  }
0x23: {  	s9 =	sor.u32 $0xD0000000, s2;
	s6 =	simm.s32 $0x108;
	_ =	swait.ge @!p0 [sflag:s8], $0x0  }
0x24: {  	s3 =	sadd.s32 $0x88, s3;
	s6 =	simm.s32 @!p1 $0x1082;
	[sflag:s4] =	ssyncset.s32 $0xFFFFF086  }
0x25: {  	[simem:s6], [sflag:s4] =	dma.local [hbm:s3], $0xF7A  }
0x26: {  	[smem:$0x3F9E] =	sst s1;
	(tag) =	ssettag s2;
	_ =	strace s9  }
0x27: {  	s1 =	sld [smem:$0x3FAE]  }
0x28: {  	s2 =	sld [smem:$0x3FAF]  }
0x29: {  	s4 =	sld [smem:$0x3FB1]  }
0x2a: {  	p0 =	seq.s32 s5, $0x0;
	s5 =	sld [smem:$0x3FB2]  }
0x2b: {  	s6 =	sld [smem:$0x3FB3]  }
0x2c: {  	s7 =	sld [smem:$0x3FB4]  }
0x2d: {  	s3 =	simm.s32 $0x108;
	s8 =	sld [smem:$0x3FB5]  }
0x2e: {  	s3 =	simm.s32 @!p0 $0x1082;
	s9 =	sld [smem:$0x3FB6]  }
0x2f: {  	lr =	sadd.s32 s0, s3;
	s0 =	sld [smem:$0x3FAD]  }
0x30: {  	s3 =	sld [smem:$0x3FB0]  }
0x31: {  	[smem:$0x3FB9] =	sst s10  }
0x32: {  	s10 =	sld [smem:$0x3FB7];
	_ =	sdelay $0x3  }
0x33: {  	p0 =	seq.s32 s10, $0x1;
	s10 =	sld [smem:$0x3FB9];
	_ =	sdelay $0x3  }
0x34: {  	[smem:$0x3FB9] =	sst s10  }
0x35: {  	s10 =	sld [smem:$0x3FB8];
	_ =	sdelay $0x3  }
0x36: {  	p1 =	seq.s32 s10, $0x1;
	s10 =	sld [smem:$0x3FB9];
	_ =	sdelay $0x3  }
0x37: {  	[smem:$0x3FB9] =	sst s10  }
0x38: {  	s10 =	sld [smem:$0x3FBA]  }
0x39: {  	_ = 	snop;
	(pc) =	sbr.ind lr, $3  }
0x3a: {  	_ = 	snop  }
0x3b: {  	_ = 	snop  }
0x3c: {  	p2 =	seq.s32 s10, $0x1;
	s10 =	sld [smem:$0x3FB9]  }
0x3d: {  	_ =	shalt  }
0x3e: {  	_ =	shalt  }
0x3f: {  	_ =	shalt  }
0x40: {  	_ =	shalt  }
0x41: {  	_ =	shalt  }
0x42: {  	_ =	shalt  }
0x43: {  	_ =	shalt  }
0x44: {  	_ =	shalt  }
0x45: {  	_ =	shalt  }
0x46: {  	_ =	shalt  }
0x47: {  	_ =	shalt  }
0x48: {  	_ =	shalt  }
0x49: {  	_ =	shalt  }
0x4a: {  	_ =	shalt  }
0x4b: {  	_ =	shalt  }
0x4c: {  	_ =	shalt  }
0x4d: {  	_ =	shalt  }
0x4e: {  	_ =	shalt  }
0x4f: {  	_ =	shalt  }
0x50: {  	_ =	shalt  }
0x51: {  	_ =	shalt  }
0x52: {  	_ =	shalt  }
0x53: {  	_ =	shalt  }
0x54: {  	_ =	shalt  }
0x55: {  	_ =	shalt  }
0x56: {  	_ =	shalt  }
0x57: {  	_ =	shalt  }
0x58: {  	_ =	shalt  }
0x59: {  	_ =	shalt  }
0x5a: {  	_ =	shalt  }
0x5b: {  	_ =	shalt  }
0x5c: {  	_ =	shalt  }
0x5d: {  	_ =	shalt  }
0x5e: {  	_ =	shalt  }
0x5f: {  	_ =	shalt  }
0x60: {  	_ =	shalt  }
0x61: {  	_ =	shalt  }
0x62: {  	_ =	shalt  }
0x63: {  	_ =	shalt  }
0x64: {  	_ =	shalt  }
0x65: {  	_ =	shalt  }
0x66: {  	_ =	shalt  }
0x67: {  	_ =	shalt  }
0x68: {  	_ =	shalt  }
0x69: {  	_ =	shalt  }
0x6a: {  	_ =	shalt  }
0x6b: {  	_ =	shalt  }
0x6c: {  	_ =	shalt  }
0x6d: {  	_ =	shalt  }
0x6e: {  	_ =	shalt  }
0x6f: {  	_ =	shalt  }
0x70: {  	_ =	shalt  }
0x71: {  	_ =	shalt  }
0x72: {  	_ =	shalt  }
0x73: {  	_ =	shalt  }
0x74: {  	_ =	shalt  }
0x75: {  	_ =	shalt  }
0x76: {  	_ =	shalt  }
0x77: {  	_ =	shalt  }
0x78: {  	_ =	shalt  }
0x79: {  	_ =	shalt  }
0x7a: {  	_ =	shalt  }
0x7b: {  	_ =	shalt  }
0x7c: {  	_ =	shalt  }
0x7d: {  	_ =	shalt  }
0x7e: {  	_ =	shalt  }
0x7f: {  	_ =	shalt  }
0x80: {  	_ =	shalt  }
0x81: {  	_ =	shalt  }
0x82: {  	_ =	shalt  }
0x83: {  	_ =	shalt  }
0x84: {  	_ =	shalt  }
0x85: {  	_ =	shalt  }
0x86: {  	_ =	shalt  }
0x87: {  	_ =	shalt  }
.Lfunc_end0:
.L_simem_size_0:
called_computation.1_lowered:
.L_overlay_start_0:
0x88: {  	s2 =	sld [smem:$0x3FD9]  }
0x89: {  	s3 =	sld [smem:$0x3FFE];
	_ =	sdelay $0x1  }
0x8a: {  	s1 =	srdreg.scid  }
0x8b: {  	s0 =	sand.u32 $0x1, s1  }
0x8c: {  	s17 =	sshll.u32 s0, $0xA;
	s2 =	sadd.s32 s3, s2  }
0x8d: {  	s2 =	sadd.s32 s2, s17  }
0x8e: {  	[smem:$0x3FC5] =	sst s2  }
0x8f: {  	_ = 	snop  }
0x90: {  	(tm) =	ssettm $0x1  }
0x91: {  	s18 =	sld [smem:$0x3FFB];
	_ =	sdelay $0x3  }
0x92: {  	_ =	strace s18  }
0x93: {  	s2 =	sld [smem:$0x3FFC];
	_ =	sdelay $0x3  }
0x94: {  	_ =	strace s2  }
0x95: {  	s2 =	sld [smem:$0x3FFD];
	_ =	sdelay $0x3  }
0x96: {  	_ =	strace s2  }
0x97: {  	_ =	strace $0x8FFFFFFF  }
0x98: {  	s19 =	sld [smem:$0x3FDB];
	_ =	sdelay $0x1  }
0x99: {  	s20 =	simm.s32 $_scs_section_size  }
0x9a: {  	s4 =	simm.s32 $_size__tile_overlayer_lowered;
	s5 =	simm.s32 $_tile_overlayer_lowered  }
0x9b: {  	s6 =	simm.s32 $0x1BFF;
	s21 =	sshll.u32 s5, $0x1;
	s3 =	sadd.s32 s20, s19  }
0x9c: {  	s22 =	simm.s32 $0x0;
	s4 =	sshll.u32 s4, $0x1;
	s5 =	sadd.s32 s21, s3  }
0x9d: {  	[timem:s22], [sflag:s6] =	dma.local [hbm:s5], s4  }
0x9e: {  	_ =	swait.ge [sflag:s6], s4  }
0x9f: {  	s4 =	ssub.s32 $0x0, s4;
	[sflag:s6] =	ssyncset.done $0x0  }
0xa0: {  	[sflag:s6] =	ssyncadd.s32 s4;
	_ =	sdelay $0x1  }
0xa1: {  	s23 =	simm.s32 $0x1B8B  }
0xa2: {  	_ =	swait.ge [sflag:s23], $0x1  }
0xa3: {  	[sflag:s23] =	ssyncset.done $0x0  }
0xa4: {  	[sflag:s23] =	ssyncadd.s32 $0xFFFFFFFF  }
0xa5: {  	s4 =	sld [smem:$0x0]  }
0xa6: {  	s5 =	sand.u32 $0xFFFFFFFE, s1  }
0xa7: {  	p0 =	sne.s32 s1, s5  }
0xa8: {  	s5 =	sshll.u32 @p0 s5, $0xE  }
0xa9: {  	s5 =	sadd.s32 @p0 $0x11B8D, s5;
	s6 =	sshll.u32 @p0 s4, $0x11  }
0xaa: {  	s5 =	sor.u32 @p0 s6, s5  }
0xab: {  	[sflag:s5] =	ssyncadd.remote.s32 @p0 $0x1;
	_ =	sdelay $0x1  }
0xac: {  	s5 =	simm.s32 @p0 $0x1B8D  }
0xad: {  	_ =	swait.eq @p0 [sflag:s5], $0x1  }
0xae: {  	[sflag:s5] =	ssyncadd.s32 @p0 $0xFFFFFFFF  }
0xaf: {  	s6 =	sshll.u32 @!p0 s1, $0xE  }
0xb0: {  	s6 =	sor.u32 @!p0 $0x4000, s6;
	s5 =	simm.s32 @!p0 $0x1B8D  }
0xb1: {  	s4 =	sshll.u32 @!p0 s4, $0x11;
	s6 =	sadd.s32 @!p0 $0x11B8D, s6;
	_ =	swait.eq @!p0 [sflag:s5], $0x1  }
0xb2: {  	s4 =	sor.u32 @!p0 s4, s6;
	[sflag:s5] =	ssyncadd.s32 @!p0 $0xFFFFFFFF  }
0xb3: {  	s25 =	simm.s32 $0x1B8E;
	s24 =	sld [smem:$0x3FFE];
	[sflag:s4] =	ssyncadd.remote.s32 @!p0 $0x1  }
0xb4: {  	s26 =	simm.s32 $execute0_lowered;
	[smem:$0x3FD2] =	sst s25  }
0xb5: {  	s5 =	sshll.u32 s26, $0x1;
	_ =	strace $0x80000049;
	[dreg:$0x1] =	wrdreg $0xFFFFFFFF  }
0xb6: {  	s28 =	simm.s32 $_size_execute0_lowered;
	s3 =	sadd.s32 s3, s5;
	[dreg:$0x0] =	wrdreg $0x0  }
0xb7: {  	s5 =	sshll.u32 s28, $0x1;
	[dreg:$0x2] =	wrdreg s3  }
0xb8: {  	[dreg:$0x3] =	wrdreg s5  }
0xb9: {  	[dreg:$0x4] =	wrdreg $0xC0  }
0xba: {  	_ =	task [dreg:s22], $0x5FFFF  }
0xbb: {  	[dreg:$0x1] =	wrdreg $0xFFFFFFFF  }
0xbc: {  	[dreg:$0x0] =	wrdreg $0x60  }
0xbd: {  	[dreg:$0x2] =	wrdreg s24  }
0xbe: {  	[dreg:$0x3] =	wrdreg $0xA  }
0xbf: {  	_ =	task.clear_ibuf [dreg:s22], $0x4FFFF;
	_ =	strace $0x90000049  }
0xc0: {  	s29 =	simm.s32 $0xA;
	_ =	strace $0x8000004B  }
0xc1: {  	_ =	swait.ge [sflag:s29], $0x1  }
0xc2: {  	[sflag:s29] =	ssyncadd.s32 $0xFFFFFFFF  }
0xc3: {  	_ =	strace $0x9000004B  }
0xc4: {  	_ =	sfence  }
0xc5: {  	s30 =	sld [smem:$0x0];
	_ =	sdelay $0x2  }
0xc6: {  	s31 =	sshll.u32 s1, $0xD;
	s1 =	sshrl.u32 s1, $0x2  }
0xc7: {  	s4 =	sand.u32 $0x4000, s31;
	s1 =	sadd.s32 s1, s30  }
0xc8: {  	s0 =	sor.u32 s4, s0;
	s1 =	sshll.u32 s1, $0x11  }
0xc9: {  	s0 =	sor.u32 s1, s0  }
0xca: {  	s0 =	sadd.s32 $0x8F2B, s0  }
0xcb: {  	[sflag:s0] =	ssyncadd.remote.s32 $0x1  }
0xcc: {  	_ =	sfence.sel $0xFFFF  }
0xcd: {  	[dreg:$0x0] =	wrdreg $0xFFFFFFFF;
	(pc) =	sbr.abs _section_cstart, $3  }
0xce: {  	[dreg:$0x1] =	wrdreg $0xFFFFFFFF  }
0xcf: {  	_ =	task.clear_ibuf [dreg:s22], $0x2FFFF;
	_ =	strace $0x9FFFFFFF  }
0xd0: {  	(tm) =	ssettm $0x7FFFFFFF  }
0xd1: {  	_ =	shalt  }
tec
execute0_lowered:
.L_overlay_start_1:
0x0: {  	(tag) =	ssettag $0x1  }
0x1: {  	s0 =	srdreg.scid  }
0x2: {  	s10 =	stileid.u32;
	s1 =	rddreg [dreg:$0x0];
	s2 =	simm.s32 $0x0  }
0x3: {  	s13 =	simm.s32 $0x3380;
	s14 =	simm.s32 $0x3B80;
	s15 =	simm.s32 $0x4380  }
0x4: {  	s16 =	simm.s32 $0x4B80;
	s17 =	simm.s32 $0x5380;
	s18 =	simm.s32 $0x5B80  }
0x5: {  	s19 =	simm.s32 $0x6380;
	s20 =	simm.s32 $0x6B80;
	s21 =	simm.s32 $0x7380  }
0x6: {  	s22 =	simm.s32 $0x7B80;
	s23 =	simm.s32 $0x8380;
	s24 =	simm.s32 $0x8B80  }
0x7: {  	s12 =	simm.s32 $0x9B80;
	s11 =	simm.s32 $0xA380;
	s28 =	simm.s32 $0x1  }
0x8: {  	s29 =	simm.s32 $0x3;
	s30 =	simm.s32 $0x2;
	s31 =	simm.s32 $0x4  }
0x9: {  	s0 =	sand.u32 $0x1, s0;
	s3 =	sshll.u32 s10, $0x1;
	[smem:$0x7FF] =	sst s2  }
0xa: {  	s8 =	sadd.s32 $0x341600, s1;
	s10 =	smul.u32 $0x32000, s10;
	s4 =	sor.u32 s0, s3  }
0xb: {  	_ =	strace $0x8000004A;
	s6 =	ssub.s32 $0x2, s0;
	s0 =	smul.u32 $0x19000, s0  }
0xc: {  	s3 =	sadd.s32 $0x1400, s1;
	s5 =	smul.u32 $0x320, s4;
	s7 =	sshrl.u32 s6, $0x1  }
0xd: {  	s4 =	smul.u32 $0x19000, s4;
	s25 =	sadd.s32 s10, s8;
	s10 =	simm.s32 $0x1380  }
0xe: {  	s9 =	ssub.s32 s6, s7;
	s6 =	sadd.s32 $0x1600, s1;
	s7 =	sadd.s32 $0x1700, s1  }
0xf: {  	s0 =	sadd.s32 s0, s25;
	s25 =	simm.s32 $0x9380;
	s5 =	sshrl.u32 s5, $0x3  }
0x10: {  	s9 =	smax.u32 s9, $0x1;
	s4 =	sadd.s32 s8, s4;
	[dreg:$0x2] =	wrdreg s0  }
0x11: {  	s8 =	simm.s32 $0xB80;
	s0 =	simm.s32 $0x2B80;
	[dreg:$0x4] =	wrdreg s9  }
0x12: {  	s5 =	sadd.s32 s5, s1;
	[dreg:$0x5] =	wrdreg s4;
	s26 =	sadd.s32 $0x17C00, s4  }
0x13: {  	v2 =	vlaneseq.u32;
	s4 =	simm.s32 $0x1B80;
	s5 =	sadd.s32 $0x340800, s5;
	[dreg:$0x6] =	wrdreg s26  }
0x14: {  	vm0 =	vmmov $0xffff;
	v1 =	vshrl.u32 v2, $0x3;
	[dreg:$0x3] =	wrdreg s5;
	s5 =	sadd.s32 $0x1500, s1;
	s1 =	simm.s32 $0x0  }
0x15: {  	v0 =	vand.u32 $0x7, v2;
	v2 =	vor.u32 $0x8, v2;
	v1 =	vmul.u32 $0x8, v1;
	s9 =	simm.s32 $0x2380;
	s26 =	simm.s32 $0x380;
	[dreg:$0x7] =	wrdreg s1  }
.LBB2_1:
0x16: {  	s1 =	rddreg [dreg:$0x3]  }
0x17: {  	[tilespmem:s2], [sflag:$0x5] =	stream.linear.gather [hbm4b:s1+s2], $0x320, $0x38;
	[tilespmem:$0x14380] =	vst v63  }
0x18: {  	s1 =	simm.s32 $0x5  }
0x19: {  	_ =	swait.ge [sflag:s1], $0x320  }
0x1a: {  	[sflag:s1] =	ssyncset.done $0x0  }
0x1b: {  	[sflag:s1] =	ssyncadd.s32 $0xFFFFFCE0  }
0x1c: {  	v3 =	vld [tilespmem:$0x0];
	_ =	sdelay $0x4  }
0x1d: {  	v4 =	vshll.u32 v3, $0x3  }
0x1e: {  	v3 =	vand.u32 $0x7, v3;
	v4 =	vand.u32 $0xFFFFFFC0, v4  }
0x1f: {  	v3 =	vor.u32 v3, v4  }
0x20: {  	v4 =	vperm.xlane v3, v0;
	_ =	sdelay $0x1  }
0x21: {  	v4 =	vadd.s32 v1, v4;
	_ =	sdelay $0x4  }
0x22: {  	[tilespmem:s26], [sflag:$0x1] =	stream.indirect_vreg.gather [hbm4b:s3+s2], $0x80, v4, vm0, $0xb8;
	[tilespmem:$0x14380] =	vst v63  }
0x23: {  	v3 =	vperm.xlane v3, v2  }
0x24: {  	[tilespmem:s8], [sflag:$0x1] =	stream.indirect_vreg.gather [hbm4b:s5+s2], $0x80, v4, vm0, $0xb8;
	[tilespmem:$0x14380] =	vst v63  }
0x25: {  	v3 =	vadd.s32 v1, v3  }
0x26: {  	[tilespmem:s10], [sflag:$0x1] =	stream.indirect_vreg.gather [hbm4b:s6+s2], $0x80, v4, vm0, $0xb8;
	[tilespmem:$0x14380] =	vst v63  }
0x27: {  	_ = 	snop  }
0x28: {  	[tilespmem:s4], [sflag:$0x1] =	stream.indirect_vreg.gather [hbm4b:s7+s2], $0x80, v4, vm0, $0xb8;
	[tilespmem:$0x14380] =	vst v63  }
0x29: {  	_ = 	snop  }
0x2a: {  	[tilespmem:s9], [sflag:$0x1] =	stream.indirect_vreg.gather [hbm4b:s3+s2], $0x80, v3, vm0, $0xb8;
	[tilespmem:$0x14380] =	vst v63  }
0x2b: {  	_ = 	snop  }
0x2c: {  	[tilespmem:s0], [sflag:$0x1] =	stream.indirect_vreg.gather [hbm4b:s5+s2], $0x80, v3, vm0, $0xb8;
	[tilespmem:$0x14380] =	vst v63  }
0x2d: {  	_ = 	snop  }
0x2e: {  	[tilespmem:s13], [sflag:$0x1] =	stream.indirect_vreg.gather [hbm4b:s6+s2], $0x80, v3, vm0, $0xb8;
	[tilespmem:$0x14380] =	vst v63  }
0x2f: {  	_ = 	snop  }
0x30: {  	[tilespmem:s14], [sflag:$0x1] =	stream.indirect_vreg.gather [hbm4b:s7+s2], $0x80, v3, vm0, $0xb8;
	[tilespmem:$0x14380] =	vst v63  }
0x31: {  	v3 =	vld [tilespmem:$0x10];
	_ =	sdelay $0x4  }
0x32: {  	v59 =	vshll.u32 v3, $0x3  }
0x33: {  	v3 =	vand.u32 $0x7, v3;
	v4 =	vand.u32 $0xFFFFFFC0, v59  }
0x34: {  	v3 =	vor.u32 v3, v4  }
0x35: {  	v4 =	vperm.xlane v3, v0;
	_ =	sdelay $0x1  }
0x36: {  	v4 =	vadd.s32 v1, v4;
	_ =	sdelay $0x4  }
0x37: {  	[tilespmem:s15], [sflag:$0x1] =	stream.indirect_vreg.gather [hbm4b:s3+s2], $0x80, v4, vm0, $0xb8;
	[tilespmem:$0x14380] =	vst v63  }
0x38: {  	v3 =	vperm.xlane v3, v2  }
0x39: {  	[tilespmem:s16], [sflag:$0x1] =	stream.indirect_vreg.gather [hbm4b:s5+s2], $0x80, v4, vm0, $0xb8;
	[tilespmem:$0x14380] =	vst v63  }
0x3a: {  	v3 =	vadd.s32 v1, v3  }
0x3b: {  	[tilespmem:s17], [sflag:$0x1] =	stream.indirect_vreg.gather [hbm4b:s6+s2], $0x80, v4, vm0, $0xb8;
	[tilespmem:$0x14380] =	vst v63  }
0x3c: {  	_ = 	snop  }
0x3d: {  	[tilespmem:s18], [sflag:$0x1] =	stream.indirect_vreg.gather [hbm4b:s7+s2], $0x80, v4, vm0, $0xb8;
	[tilespmem:$0x14380] =	vst v63  }
0x3e: {  	_ = 	snop  }
0x3f: {  	[tilespmem:s19], [sflag:$0x1] =	stream.indirect_vreg.gather [hbm4b:s3+s2], $0x80, v3, vm0, $0xb8;
	[tilespmem:$0x14380] =	vst v63  }
0x40: {  	_ = 	snop  }
0x41: {  	[tilespmem:s20], [sflag:$0x1] =	stream.indirect_vreg.gather [hbm4b:s5+s2], $0x80, v3, vm0, $0xb8;
	[tilespmem:$0x14380] =	vst v63  }
0x42: {  	_ = 	snop  }
0x43: {  	[tilespmem:s21], [sflag:$0x1] =	stream.indirect_vreg.gather [hbm4b:s6+s2], $0x80, v3, vm0, $0xb8;
	[tilespmem:$0x14380] =	vst v63  }
0x44: {  	_ = 	snop  }
0x45: {  	[tilespmem:s22], [sflag:$0x1] =	stream.indirect_vreg.gather [hbm4b:s7+s2], $0x80, v3, vm0, $0xb8;
	[tilespmem:$0x14380] =	vst v63  }
0x46: {  	v3 =	vld.msk [tilespmem:$0x20], $0xff;
	_ =	sdelay $0x4  }
0x47: {  	v60 =	vshll.u32 v3, $0x3  }
0x48: {  	v3 =	vand.u32 $0x7, v3;
	v4 =	vand.u32 $0xFFFFFFC0, v60  }
0x49: {  	v3 =	vor.u32 v3, v4  }
0x4a: {  	v3 =	vperm.xlane v3, v0;
	_ =	sdelay $0x1  }
0x4b: {  	v3 =	vadd.s32 v1, v3;
	_ =	sdelay $0x4  }
0x4c: {  	[tilespmem:s23], [sflag:$0x1] =	stream.indirect_vreg.gather [hbm4b:s3+s2], $0x80, v3, vm0, $0xb8;
	[tilespmem:$0x14380] =	vst v63  }
0x4d: {  	_ = 	snop  }
0x4e: {  	[tilespmem:s24], [sflag:$0x1] =	stream.indirect_vreg.gather [hbm4b:s5+s2], $0x80, v3, vm0, $0xb8;
	[tilespmem:$0x14380] =	vst v63  }
0x4f: {  	_ = 	snop  }
0x50: {  	[tilespmem:s25], [sflag:$0x1] =	stream.indirect_vreg.gather [hbm4b:s6+s2], $0x80, v3, vm0, $0xb8;
	[tilespmem:$0x14380] =	vst v63  }
0x51: {  	_ = 	snop  }
0x52: {  	[tilespmem:s12], [sflag:$0x1] =	stream.indirect_vreg.gather [hbm4b:s7+s2], $0x80, v3, vm0, $0xb8;
	[tilespmem:$0x14380] =	vst v63  }
0x53: {  	v3 =	vld [tilespmem:$0x28];
	_ =	sdelay $0x4  }
0x54: {  	v61 =	vshll.u32 v3, $0x3  }
0x55: {  	v3 =	vand.u32 $0x7, v3;
	v4 =	vand.u32 $0xFFFFFFC0, v61  }
0x56: {  	v3 =	vor.u32 v3, v4  }
0x57: {  	v4 =	vperm.xlane v3, v0;
	_ =	sdelay $0x1  }
0x58: {  	v4 =	vadd.s32 v1, v4;
	_ =	sdelay $0x4  }
0x59: {  	[tilespmem:s11], [sflag:$0x2] =	stream.indirect_vreg.gather [hbm4b:s3+s2], $0x80, v4, vm0, $0xb8;
	[tilespmem:$0x14380] =	vst v63  }
0x5a: {  	s24 =	simm.s32 $0xAB80;
	v3 =	vperm.xlane v3, v2  }
0x5b: {  	[tilespmem:s24], [sflag:$0x2] =	stream.indirect_vreg.gather [hbm4b:s5+s2], $0x80, v4, vm0, $0xb8;
	[tilespmem:$0x14380] =	vst v63  }
0x5c: {  	s25 =	simm.s32 $0xB380;
	v3 =	vadd.s32 v1, v3  }
0x5d: {  	[tilespmem:s25], [sflag:$0x2] =	stream.indirect_vreg.gather [hbm4b:s6+s2], $0x80, v4, vm0, $0xb8;
	[tilespmem:$0x14380] =	vst v63  }
0x5e: {  	s1 =	simm.s32 $0xBB80  }
0x5f: {  	[tilespmem:s1], [sflag:$0x2] =	stream.indirect_vreg.gather [hbm4b:s7+s2], $0x80, v4, vm0, $0xb8;
	[tilespmem:$0x14380] =	vst v63  }
0x60: {  	s4 =	simm.s32 $0xC380  }
0x61: {  	[tilespmem:s4], [sflag:$0x2] =	stream.indirect_vreg.gather [hbm4b:s3+s2], $0x80, v3, vm0, $0xb8;
	[tilespmem:$0x14380] =	vst v63  }
0x62: {  	s9 =	simm.s32 $0xCB80  }
0x63: {  	[tilespmem:s9], [sflag:$0x2] =	stream.indirect_vreg.gather [hbm4b:s5+s2], $0x80, v3, vm0, $0xb8;
	[tilespmem:$0x14380] =	vst v63  }
0x64: {  	s11 =	simm.s32 $0xD380  }
0x65: {  	[tilespmem:s11], [sflag:$0x2] =	stream.indirect_vreg.gather [hbm4b:s6+s2], $0x80, v3, vm0, $0xb8;
	[tilespmem:$0x14380] =	vst v63  }
0x66: {  	s12 =	simm.s32 $0xDB80  }
0x67: {  	[tilespmem:s12], [sflag:$0x2] =	stream.indirect_vreg.gather [hbm4b:s7+s2], $0x80, v3, vm0, $0xb8;
	[tilespmem:$0x14380] =	vst v63  }
0x68: {  	v3 =	vld [tilespmem:$0x38];
	_ =	sdelay $0x4  }
0x69: {  	v62 =	vshll.u32 v3, $0x3  }
0x6a: {  	v3 =	vand.u32 $0x7, v3;
	v4 =	vand.u32 $0xFFFFFFC0, v62  }
0x6b: {  	v3 =	vor.u32 v3, v4  }
0x6c: {  	v4 =	vperm.xlane v3, v0;
	_ =	sdelay $0x1  }
0x6d: {  	v4 =	vadd.s32 v1, v4;
	_ =	sdelay $0x3  }
0x6e: {  	s13 =	simm.s32 $0xE380  }
0x6f: {  	[tilespmem:s13], [sflag:$0x2] =	stream.indirect_vreg.gather [hbm4b:s3+s2], $0x80, v4, vm0, $0xb8;
	[tilespmem:$0x14380] =	vst v63  }
0x70: {  	s14 =	simm.s32 $0xEB80;
	v3 =	vperm.xlane v3, v2  }
0x71: {  	[tilespmem:s14], [sflag:$0x2] =	stream.indirect_vreg.gather [hbm4b:s5+s2], $0x80, v4, vm0, $0xb8;
	[tilespmem:$0x14380] =	vst v63  }
0x72: {  	s15 =	simm.s32 $0xF380;
	v3 =	vadd.s32 v1, v3  }
0x73: {  	[tilespmem:s15], [sflag:$0x2] =	stream.indirect_vreg.gather [hbm4b:s6+s2], $0x80, v4, vm0, $0xb8;
	[tilespmem:$0x14380] =	vst v63  }
0x74: {  	s16 =	simm.s32 $0xFB80  }
0x75: {  	[tilespmem:s16], [sflag:$0x2] =	stream.indirect_vreg.gather [hbm4b:s7+s2], $0x80, v4, vm0, $0xb8;
	[tilespmem:$0x14380] =	vst v63  }
0x76: {  	s17 =	simm.s32 $0x10380  }
0x77: {  	[tilespmem:s17], [sflag:$0x2] =	stream.indirect_vreg.gather [hbm4b:s3+s2], $0x80, v3, vm0, $0xb8;
	[tilespmem:$0x14380] =	vst v63  }
0x78: {  	s18 =	simm.s32 $0x10B80  }
0x79: {  	[tilespmem:s18], [sflag:$0x2] =	stream.indirect_vreg.gather [hbm4b:s5+s2], $0x80, v3, vm0, $0xb8;
	[tilespmem:$0x14380] =	vst v63  }
0x7a: {  	s19 =	simm.s32 $0x11380  }
0x7b: {  	[tilespmem:s19], [sflag:$0x2] =	stream.indirect_vreg.gather [hbm4b:s6+s2], $0x80, v3, vm0, $0xb8;
	[tilespmem:$0x14380] =	vst v63  }
0x7c: {  	s20 =	simm.s32 $0x11B80  }
0x7d: {  	[tilespmem:s20], [sflag:$0x2] =	stream.indirect_vreg.gather [hbm4b:s7+s2], $0x80, v3, vm0, $0xb8;
	[tilespmem:$0x14380] =	vst v63  }
0x7e: {  	v3 =	vld.msk [tilespmem:$0x48], $0xff;
	_ =	sdelay $0x4  }
0x7f: {  	v63 =	vshll.u32 v3, $0x3  }
0x80: {  	v3 =	vand.u32 $0x7, v3;
	v4 =	vand.u32 $0xFFFFFFC0, v63  }
0x81: {  	v3 =	vor.u32 v3, v4  }
0x82: {  	v3 =	vperm.xlane v3, v0;
	_ =	sdelay $0x1  }
0x83: {  	v3 =	vadd.s32 v1, v3;
	_ =	sdelay $0x2  }
0x84: {  	s0 =	simm.s32 $0x380;
	s21 =	simm.s32 $0x12380  }
0x85: {  	s22 =	simm.s32 $0x12B80;
	s23 =	simm.s32 $0x13380;
	s24 =	simm.s32 $0x13B80  }
0x86: {  	[tilespmem:s21], [sflag:$0x2] =	stream.indirect_vreg.gather [hbm4b:s3+s2], $0x80, v3, vm0, $0xb8;
	[tilespmem:$0x14380] =	vst v63  }
0x87: {  	s1 =	simm.s32 $0xFFFE9800;
	s4 =	simm.s32 $0x98;
	s9 =	simm.s32 $0x1B80  }
0x88: {  	[tilespmem:s22], [sflag:$0x2] =	stream.indirect_vreg.gather [hbm4b:s5+s2], $0x80, v3, vm0, $0xb8;
	[tilespmem:$0x14380] =	vst v63  }
0x89: {  	s12 =	simm.s32 $0x9B80;
	s13 =	simm.s32 $0x2B80;
	s15 =	simm.s32 $0x3B80  }
0x8a: {  	[tilespmem:s23], [sflag:$0x2] =	stream.indirect_vreg.gather [hbm4b:s6+s2], $0x80, v3, vm0, $0xb8;
	[tilespmem:$0x14380] =	vst v63  }
0x8b: {  	s16 =	simm.s32 $0x4380;
	s17 =	simm.s32 $0x4B80;
	s18 =	simm.s32 $0x5380  }
0x8c: {  	[tilespmem:s24], [sflag:$0x2] =	stream.indirect_vreg.gather [hbm4b:s7+s2], $0x80, v3, vm0, $0xb8;
	[tilespmem:$0x14380] =	vst v63  }
0x8d: {  	s19 =	simm.s32 $0x5B80;
	s20 =	simm.s32 $0x6380;
	_ =	swait.ge [sflag:s28], $0xA000  }
0x8e: {  	s21 =	simm.s32 $0x6B80;
	s22 =	simm.s32 $0x7380;
	[sflag:s28] =	ssyncset.done $0x0  }
0x8f: {  	s23 =	simm.s32 $0x7B80;
	s25 =	rddreg [dreg:$0x5];
	[sflag:s28] =	ssyncadd.s32 $0xFFFF6000  }
0x90: {  	[hbm4b:s25+s2] =	stream.linear.scatter [tilespmem:s26], [sflag:$0x3], $0xA000, $0x38;
	[tilespmem:$0x14380] =	vst v63  }
0x91: {  	s24 =	simm.s32 $0x8380;
	s26 =	simm.s32 $0x9380;
	s25 =	simm.s32 $0x8B80  }
.LBB2_2:
0x92: {  	_ =	swait.ge [sflag:s29], $0xA000  }
0x93: {  	[sflag:s29] =	ssyncset.done $0x0  }
0x94: {  	[sflag:s29] =	ssyncadd.s32 $0xFFFF6000  }
0x95: {  	v3 =	vld [tilespmem:s4+$0xFFFFFFB8];
	_ =	sdelay $0x4  }
0x96: {  	v4 =	vshll.u32 v3, $0x3  }
0x97: {  	v3 =	vand.u32 $0x7, v3;
	v4 =	vand.u32 $0xFFFFFFC0, v4  }
0x98: {  	v3 =	vor.u32 v3, v4  }
0x99: {  	v4 =	vperm.xlane v3, v0;
	_ =	sdelay $0x1  }
0x9a: {  	v4 =	vadd.s32 v1, v4;
	_ =	sdelay $0x4  }
0x9b: {  	[tilespmem:s0], [sflag:$0x1] =	stream.indirect_vreg.gather [hbm4b:s3+s2], $0x80, v4, vm0, $0xb8;
	[tilespmem:$0x14380] =	vst v63  }
0x9c: {  	v3 =	vperm.xlane v3, v2  }
0x9d: {  	[tilespmem:s8], [sflag:$0x1] =	stream.indirect_vreg.gather [hbm4b:s5+s2], $0x80, v4, vm0, $0xb8;
	[tilespmem:$0x14380] =	vst v63  }
0x9e: {  	v3 =	vadd.s32 v1, v3  }
0x9f: {  	[tilespmem:s10], [sflag:$0x1] =	stream.indirect_vreg.gather [hbm4b:s6+s2], $0x80, v4, vm0, $0xb8;
	[tilespmem:$0x14380] =	vst v63  }
0xa0: {  	_ = 	snop  }
0xa1: {  	[tilespmem:s9], [sflag:$0x1] =	stream.indirect_vreg.gather [hbm4b:s7+s2], $0x80, v4, vm0, $0xb8;
	[tilespmem:$0x14380] =	vst v63  }
0xa2: {  	s11 =	simm.s32 $0x2380  }
0xa3: {  	[tilespmem:s11], [sflag:$0x1] =	stream.indirect_vreg.gather [hbm4b:s3+s2], $0x80, v3, vm0, $0xb8;
	[tilespmem:$0x14380] =	vst v63  }
0xa4: {  	_ = 	snop  }
0xa5: {  	[tilespmem:s13], [sflag:$0x1] =	stream.indirect_vreg.gather [hbm4b:s5+s2], $0x80, v3, vm0, $0xb8;
	[tilespmem:$0x14380] =	vst v63  }
0xa6: {  	s14 =	simm.s32 $0x3380  }
0xa7: {  	[tilespmem:s14], [sflag:$0x1] =	stream.indirect_vreg.gather [hbm4b:s6+s2], $0x80, v3, vm0, $0xb8;
	[tilespmem:$0x14380] =	vst v63  }
0xa8: {  	_ = 	snop  }
0xa9: {  	[tilespmem:s15], [sflag:$0x1] =	stream.indirect_vreg.gather [hbm4b:s7+s2], $0x80, v3, vm0, $0xb8;
	[tilespmem:$0x14380] =	vst v63  }
0xaa: {  	v3 =	vld [tilespmem:s4+$0xFFFFFFC8];
	_ =	sdelay $0x4  }
0xab: {  	v59 =	vshll.u32 v3, $0x3  }
0xac: {  	v3 =	vand.u32 $0x7, v3;
	v4 =	vand.u32 $0xFFFFFFC0, v59  }
0xad: {  	v3 =	vor.u32 v3, v4  }
0xae: {  	v4 =	vperm.xlane v3, v0;
	_ =	sdelay $0x1  }
0xaf: {  	v4 =	vadd.s32 v1, v4;
	_ =	sdelay $0x4  }
0xb0: {  	[tilespmem:s16], [sflag:$0x1] =	stream.indirect_vreg.gather [hbm4b:s3+s2], $0x80, v4, vm0, $0xb8;
	[tilespmem:$0x14380] =	vst v63  }
0xb1: {  	v3 =	vperm.xlane v3, v2  }
0xb2: {  	[tilespmem:s17], [sflag:$0x1] =	stream.indirect_vreg.gather [hbm4b:s5+s2], $0x80, v4, vm0, $0xb8;
	[tilespmem:$0x14380] =	vst v63  }
0xb3: {  	v3 =	vadd.s32 v1, v3  }
0xb4: {  	[tilespmem:s18], [sflag:$0x1] =	stream.indirect_vreg.gather [hbm4b:s6+s2], $0x80, v4, vm0, $0xb8;
	[tilespmem:$0x14380] =	vst v63  }
0xb5: {  	_ = 	snop  }
0xb6: {  	[tilespmem:s19], [sflag:$0x1] =	stream.indirect_vreg.gather [hbm4b:s7+s2], $0x80, v4, vm0, $0xb8;
	[tilespmem:$0x14380] =	vst v63  }
0xb7: {  	_ = 	snop  }
0xb8: {  	[tilespmem:s20], [sflag:$0x1] =	stream.indirect_vreg.gather [hbm4b:s3+s2], $0x80, v3, vm0, $0xb8;
	[tilespmem:$0x14380] =	vst v63  }
0xb9: {  	_ = 	snop  }
0xba: {  	[tilespmem:s21], [sflag:$0x1] =	stream.indirect_vreg.gather [hbm4b:s5+s2], $0x80, v3, vm0, $0xb8;
	[tilespmem:$0x14380] =	vst v63  }
0xbb: {  	_ = 	snop  }
0xbc: {  	[tilespmem:s22], [sflag:$0x1] =	stream.indirect_vreg.gather [hbm4b:s6+s2], $0x80, v3, vm0, $0xb8;
	[tilespmem:$0x14380] =	vst v63  }
0xbd: {  	_ = 	snop  }
0xbe: {  	[tilespmem:s23], [sflag:$0x1] =	stream.indirect_vreg.gather [hbm4b:s7+s2], $0x80, v3, vm0, $0xb8;
	[tilespmem:$0x14380] =	vst v63  }
0xbf: {  	v3 =	vld.msk [tilespmem:s4+$0xFFFFFFD8], $0xff;
	_ =	sdelay $0x4  }
0xc0: {  	v60 =	vshll.u32 v3, $0x3  }
0xc1: {  	v3 =	vand.u32 $0x7, v3;
	v4 =	vand.u32 $0xFFFFFFC0, v60  }
0xc2: {  	v3 =	vor.u32 v3, v4  }
0xc3: {  	v3 =	vperm.xlane v3, v0;
	_ =	sdelay $0x1  }
0xc4: {  	v3 =	vadd.s32 v1, v3;
	_ =	sdelay $0x4  }
0xc5: {  	[tilespmem:s24], [sflag:$0x1] =	stream.indirect_vreg.gather [hbm4b:s3+s2], $0x80, v3, vm0, $0xb8;
	[tilespmem:$0x14380] =	vst v63  }
0xc6: {  	_ = 	snop  }
0xc7: {  	[tilespmem:s25], [sflag:$0x1] =	stream.indirect_vreg.gather [hbm4b:s5+s2], $0x80, v3, vm0, $0xb8;
	[tilespmem:$0x14380] =	vst v63  }
0xc8: {  	_ = 	snop  }
0xc9: {  	[tilespmem:s26], [sflag:$0x1] =	stream.indirect_vreg.gather [hbm4b:s6+s2], $0x80, v3, vm0, $0xb8;
	[tilespmem:$0x14380] =	vst v63  }
0xca: {  	_ = 	snop  }
0xcb: {  	[tilespmem:s12], [sflag:$0x1] =	stream.indirect_vreg.gather [hbm4b:s7+s2], $0x80, v3, vm0, $0xb8;
	[tilespmem:$0x14380] =	vst v63  }
0xcc: {  	_ =	swait.ge [sflag:s30], $0xA000  }
0xcd: {  	s10 =	rddreg [dreg:$0x2]  }
0xce: {  	[sflag:s30] =	ssyncset.done $0x0;
	s8 =	sadd.s32 s1, s10  }
0xcf: {  	s14 =	simm.s32 $0xA380;
	[sflag:s30] =	ssyncadd.s32 $0xFFFF6000;
	s11 =	sadd.s32 $0x17C00, s8  }
0xd0: {  	[hbm4b:s11+s2] =	stream.linear.scatter [tilespmem:s14], [sflag:$0x4], $0xA000, $0x38;
	[tilespmem:$0x14380] =	vst v63  }
0xd1: {  	_ =	swait.ge [sflag:s31], $0xA000  }
0xd2: {  	[sflag:s31] =	ssyncset.done $0x0  }
0xd3: {  	[sflag:s31] =	ssyncadd.s32 $0xFFFF6000  }
0xd4: {  	v3 =	vld [tilespmem:s4+$0xFFFFFFE0];
	_ =	sdelay $0x4  }
0xd5: {  	v61 =	vshll.u32 v3, $0x3  }
0xd6: {  	v3 =	vand.u32 $0x7, v3;
	v4 =	vand.u32 $0xFFFFFFC0, v61  }
0xd7: {  	v3 =	vor.u32 v3, v4  }
0xd8: {  	v4 =	vperm.xlane v3, v0;
	_ =	sdelay $0x1  }
0xd9: {  	v4 =	vadd.s32 v1, v4;
	_ =	sdelay $0x4  }
0xda: {  	[tilespmem:s14], [sflag:$0x2] =	stream.indirect_vreg.gather [hbm4b:s3+s2], $0x80, v4, vm0, $0xb8;
	[tilespmem:$0x14380] =	vst v63  }
0xdb: {  	v3 =	vperm.xlane v3, v2;
	s14 =	simm.s32 $0xAB80  }
0xdc: {  	[tilespmem:s14], [sflag:$0x2] =	stream.indirect_vreg.gather [hbm4b:s5+s2], $0x80, v4, vm0, $0xb8;
	[tilespmem:$0x14380] =	vst v63  }
0xdd: {  	v3 =	vadd.s32 v1, v3;
	s14 =	simm.s32 $0xB380  }
0xde: {  	[tilespmem:s14], [sflag:$0x2] =	stream.indirect_vreg.gather [hbm4b:s6+s2], $0x80, v4, vm0, $0xb8;
	[tilespmem:$0x14380] =	vst v63  }
0xdf: {  	s14 =	simm.s32 $0xBB80  }
0xe0: {  	[tilespmem:s14], [sflag:$0x2] =	stream.indirect_vreg.gather [hbm4b:s7+s2], $0x80, v4, vm0, $0xb8;
	[tilespmem:$0x14380] =	vst v63  }
0xe1: {  	s14 =	simm.s32 $0xC380  }
0xe2: {  	[tilespmem:s14], [sflag:$0x2] =	stream.indirect_vreg.gather [hbm4b:s3+s2], $0x80, v3, vm0, $0xb8;
	[tilespmem:$0x14380] =	vst v63  }
0xe3: {  	s14 =	simm.s32 $0xCB80  }
0xe4: {  	[tilespmem:s14], [sflag:$0x2] =	stream.indirect_vreg.gather [hbm4b:s5+s2], $0x80, v3, vm0, $0xb8;
	[tilespmem:$0x14380] =	vst v63  }
0xe5: {  	s14 =	simm.s32 $0xD380  }
0xe6: {  	[tilespmem:s14], [sflag:$0x2] =	stream.indirect_vreg.gather [hbm4b:s6+s2], $0x80, v3, vm0, $0xb8;
	[tilespmem:$0x14380] =	vst v63  }
0xe7: {  	s14 =	simm.s32 $0xDB80  }
0xe8: {  	[tilespmem:s14], [sflag:$0x2] =	stream.indirect_vreg.gather [hbm4b:s7+s2], $0x80, v3, vm0, $0xb8;
	[tilespmem:$0x14380] =	vst v63  }
0xe9: {  	v3 =	vld [tilespmem:s4+$0xFFFFFFF0];
	_ =	sdelay $0x4  }
0xea: {  	v62 =	vshll.u32 v3, $0x3  }
0xeb: {  	v3 =	vand.u32 $0x7, v3;
	v4 =	vand.u32 $0xFFFFFFC0, v62  }
0xec: {  	v3 =	vor.u32 v3, v4  }
0xed: {  	v4 =	vperm.xlane v3, v0;
	_ =	sdelay $0x1  }
0xee: {  	v4 =	vadd.s32 v1, v4;
	_ =	sdelay $0x3  }
0xef: {  	s14 =	simm.s32 $0xE380  }
0xf0: {  	[tilespmem:s14], [sflag:$0x2] =	stream.indirect_vreg.gather [hbm4b:s3+s2], $0x80, v4, vm0, $0xb8;
	[tilespmem:$0x14380] =	vst v63  }
0xf1: {  	v3 =	vperm.xlane v3, v2;
	s14 =	simm.s32 $0xEB80  }
0xf2: {  	[tilespmem:s14], [sflag:$0x2] =	stream.indirect_vreg.gather [hbm4b:s5+s2], $0x80, v4, vm0, $0xb8;
	[tilespmem:$0x14380] =	vst v63  }
0xf3: {  	v3 =	vadd.s32 v1, v3;
	s14 =	simm.s32 $0xF380  }
0xf4: {  	[tilespmem:s14], [sflag:$0x2] =	stream.indirect_vreg.gather [hbm4b:s6+s2], $0x80, v4, vm0, $0xb8;
	[tilespmem:$0x14380] =	vst v63  }
0xf5: {  	s14 =	simm.s32 $0xFB80  }
0xf6: {  	[tilespmem:s14], [sflag:$0x2] =	stream.indirect_vreg.gather [hbm4b:s7+s2], $0x80, v4, vm0, $0xb8;
	[tilespmem:$0x14380] =	vst v63  }
0xf7: {  	s14 =	simm.s32 $0x10380  }
0xf8: {  	[tilespmem:s14], [sflag:$0x2] =	stream.indirect_vreg.gather [hbm4b:s3+s2], $0x80, v3, vm0, $0xb8;
	[tilespmem:$0x14380] =	vst v63  }
0xf9: {  	s14 =	simm.s32 $0x10B80  }
0xfa: {  	[tilespmem:s14], [sflag:$0x2] =	stream.indirect_vreg.gather [hbm4b:s5+s2], $0x80, v3, vm0, $0xb8;
	[tilespmem:$0x14380] =	vst v63  }
0xfb: {  	s14 =	simm.s32 $0x11380  }
0xfc: {  	[tilespmem:s14], [sflag:$0x2] =	stream.indirect_vreg.gather [hbm4b:s6+s2], $0x80, v3, vm0, $0xb8;
	[tilespmem:$0x14380] =	vst v63  }
0xfd: {  	s14 =	simm.s32 $0x11B80  }
0xfe: {  	[tilespmem:s14], [sflag:$0x2] =	stream.indirect_vreg.gather [hbm4b:s7+s2], $0x80, v3, vm0, $0xb8;
	[tilespmem:$0x14380] =	vst v63  }
0xff: {  	v3 =	vld.msk [tilespmem:s4+$0x0], $0xff;
	_ =	sdelay $0x4  }
0x100: {  	v63 =	vshll.u32 v3, $0x3  }
0x101: {  	v3 =	vand.u32 $0x7, v3;
	v4 =	vand.u32 $0xFFFFFFC0, v63  }
0x102: {  	v3 =	vor.u32 v3, v4  }
0x103: {  	v3 =	vperm.xlane v3, v0;
	_ =	sdelay $0x1  }
0x104: {  	v3 =	vadd.s32 v1, v3;
	_ =	sdelay $0x3  }
0x105: {  	s14 =	simm.s32 $0x12380  }
0x106: {  	[tilespmem:s14], [sflag:$0x2] =	stream.indirect_vreg.gather [hbm4b:s3+s2], $0x80, v3, vm0, $0xb8;
	[tilespmem:$0x14380] =	vst v63  }
0x107: {  	s14 =	simm.s32 $0x12B80  }
0x108: {  	[tilespmem:s14], [sflag:$0x2] =	stream.indirect_vreg.gather [hbm4b:s5+s2], $0x80, v3, vm0, $0xb8;
	[tilespmem:$0x14380] =	vst v63  }
0x109: {  	s14 =	simm.s32 $0x13380  }
0x10a: {  	[tilespmem:s14], [sflag:$0x2] =	stream.indirect_vreg.gather [hbm4b:s6+s2], $0x80, v3, vm0, $0xb8;
	[tilespmem:$0x14380] =	vst v63  }
0x10b: {  	p0 =	sne.s32 s1, $0xFFFFD800;
	s14 =	simm.s32 $0x13B80  }
0x10c: {  	[tilespmem:s14], [sflag:$0x2] =	stream.indirect_vreg.gather [hbm4b:s7+s2], $0x80, v3, vm0, $0xb8;
	[tilespmem:$0x14380] =	vst v63  }
.Ltmp0:
0x10d: {  	_ =	swait.ge [sflag:s28], $0xA000;
	(pc) =	sbr.rel @p0 .LBB2_2-.Ltmp0, $4  }
0x10e: {  	s10 =	simm.s32 $0x1380;
	[sflag:s28] =	ssyncset.done $0x0  }
0x10f: {  	s1 =	sadd.s32 $0x2800, s1;
	s8 =	sadd.s32 $0x19000, s8;
	[sflag:s28] =	ssyncadd.s32 $0xFFFF6000  }
0x110: {  	[hbm4b:s8+s2] =	stream.linear.scatter [tilespmem:s0], [sflag:$0x3], $0xA000, $0x38;
	[tilespmem:$0x14380] =	vst v63  }
0x111: {  	s11 =	simm.s32 $0xA380;
	s4 =	sadd.s32 $0x50, s4;
	s8 =	simm.s32 $0xB80  }
0x112: {  	_ =	swait.ge [sflag:s30], $0xA000  }
0x113: {  	[sflag:s30] =	ssyncset.done $0x0  }
0x114: {  	s1 =	rddreg [dreg:$0x6];
	[sflag:s30] =	ssyncadd.s32 $0xFFFF6000  }
0x115: {  	[hbm4b:s1+s2] =	stream.linear.scatter [tilespmem:s11], [sflag:$0x4], $0xA000, $0x38;
	[tilespmem:$0x14380] =	vst v63  }
0x116: {  	_ =	swait.ge [sflag:s29], $0xA000  }
0x117: {  	[sflag:s29] =	ssyncset.done $0x0  }
0x118: {  	[sflag:s29] =	ssyncadd.s32 $0xFFFF6000  }
0x119: {  	s4 =	simm.s32 $0x1B80;
	s9 =	simm.s32 $0x2380;
	_ =	swait.ge [sflag:s31], $0xA000  }
0x11a: {  	s13 =	simm.s32 $0x3380;
	s14 =	simm.s32 $0x3B80;
	s0 =	rddreg [dreg:$0x7]  }
0x11b: {  	s15 =	simm.s32 $0x4380;
	s26 =	rddreg [dreg:$0x4];
	s0 =	sadd.s32 $0x1, s0  }
0x11c: {  	s16 =	simm.s32 $0x4B80;
	s17 =	simm.s32 $0x5380;
	p0 =	sne.s32 s0, s26  }
.Ltmp1:
0x11d: {  	s18 =	simm.s32 $0x5B80;
	s19 =	simm.s32 $0x6380;
	(pc) =	sbr.rel @p0 .LBB2_1-.Ltmp1, $4  }
0x11e: {  	s20 =	simm.s32 $0x6B80;
	s21 =	simm.s32 $0x7380;
	s22 =	simm.s32 $0x7B80  }
0x11f: {  	s23 =	simm.s32 $0x8380;
	s24 =	simm.s32 $0x8B80;
	[sflag:s31] =	ssyncset.done $0x0  }
0x120: {  	s25 =	simm.s32 $0x9380;
	s12 =	simm.s32 $0x9B80;
	[sflag:s31] =	ssyncadd.s32 $0xFFFF6000  }
0x121: {  	[dreg:$0x7] =	wrdreg s0;
	s0 =	simm.s32 $0x2B80;
	s26 =	simm.s32 $0x380  }
0x122: {  	_ =	sfence.sel $0x180000  }
0x123: {  	[bflag:$0x0] =	sbarrier.arrive $0xFFFF  }
0x124: {  	_ =	strace $0x9000004A  }
0x125: {  	s0 =	stileid.u32;
	[bflag:$0x2] =	sbarrier.arrive $0xFFFF  }
0x126: {  	p0 =	sne.s32 s0, $0x0;
	s0 =	rddreg [dreg:$0x1]  }
0x127: {  	s0 =	sadd.s32 @!p0 $0x100000, s0  }
0x128: {  	[sflag:s0] =	ssyncadd.tile.s32 @!p0 $0x1;
	_ =	shalt  }
.Lfunc_end2:
_tile_overlayer_lowered:
.L_overlay_start_2:
0x129: {  	(tag) =	ssettag $0x2  }
0x12a: {  	s0 =	rddreg [dreg:$0x0];
	s2 =	stileid.u32  }
0x12b: {  	s1 =	rddreg [dreg:$0x1];
	p0 =	sne.s32 s2, $0x0  }
0x12c: {  	s3 =	rddreg [dreg:$0x2];
	[bflag:$0x3] =	sbarrier.arrive $0xFFFF;
	s2 =	simm.s32 @!p0 $0x1C05  }
0x12d: {  	[timem:s3], [sflag:s2] =	dma.local @!p0 [hbm:s0], s1  }
0x12e: {  	s0 =	simm.s32 @!p0 $0x5  }
0x12f: {  	_ =	swait.ge @!p0 [sflag:s0], s1  }
0x130: {  	s1 =	ssub.s32 @!p0 $0x0, s1;
	[sflag:s0] =	ssyncset.done @!p0 $0x0  }
0x131: {  	[sflag:s0] =	ssyncadd.s32 @!p0 s1  }
0x132: {  	[bflag:$0x3] =	sbarrier.arrive $0xFFFF  }
0x133: {  	_ =	shalt  }

</sc_bundles>
